<compile_context>
chip_gen: v7x
topology: tpu7x:2x2x1
jax: 0.10.2.dev20260603
libtpu: 0.0.44.dev20260713+nightly
codegen_flags: <defaults>
</compile_context>

<pallas_src>
import functools

import jax
import jax.numpy as jnp
from jax import lax
from jax.experimental import pallas as pl
from jax.experimental.pallas import tpu as pltpu
from jax.experimental.pallas import tpu_sc as plsc

N = 10000
E = 320000
D = 128
H = 128
C = 2
G = 64

NC = 2
NS = 16
NW = NC * NS
EPW = E // NW
CH = 80
NCHUNK = EPW // CH

HW = H // NC
CH2 = 128
NCHUNK2 = -(-E // (NS * CH2))
EPAD = NS * CH2 * NCHUNK2
DUMP = N
ACCR = N + 8
RPW = 624
TAIL = N - NS * RPW
ZR = 104

DEGW = 624
DEGT = N - NS * DEGW

_mesh = plsc.VectorSubcoreMesh(
    core_axis_name="c", subcore_axis_name="s", num_cores=NC, num_subcores=NS
)


def _zero_vmem_2d(ref, rows, cols):
    def body(i, _):
        r = i // (cols // 16)
        j = (i % (cols // 16)) * 16
        ref[r, pl.ds(j, 16)] = jnp.zeros((16,), jnp.float32)
        return 0
    lax.fori_loop(0, rows * (cols // 16), body, 0)


def _zero_vmem_1d(ref, n):
    def body(i, _):
        ref[pl.ds(i * 16, 16)] = jnp.zeros((16,), jnp.float32)
        return 0
    lax.fori_loop(0, n // 16, body, 0)


@functools.partial(
    pl.kernel,
    out_type=jax.ShapeDtypeStruct((NC * N,), jnp.float32),
    mesh=_mesh,
    scratch_types=[
        pltpu.VMEM((NCHUNK, CH), jnp.int32),
        pltpu.VMEM((CH,), jnp.float32),
        pltpu.VMEM((DEGW,), jnp.float32),
        pltpu.VMEM_SHARED((N,), jnp.float32),
        pltpu.SemaphoreType.DMA,
    ],
)
def _sc_degree(dst_hbm, out_hbm, didx_v, ones_v, zbuf_v, dacc, dsem):
    c = lax.axis_index("c")
    s = lax.axis_index("s")
    w = c * NS + s

    _zero_vmem_1d(zbuf_v, DEGW)
    def setones(i, _):
        ones_v[pl.ds(i * 16, 16)] = jnp.ones((16,), jnp.float32)
        return 0
    lax.fori_loop(0, CH // 16, setones, 0)

    pltpu.sync_copy(zbuf_v, dacc.at[pl.ds(s * DEGW, DEGW)])
    @pl.when(s == 0)
    def _():
        pltpu.sync_copy(zbuf_v.at[pl.ds(0, DEGT)], dacc.at[pl.ds(NS * DEGW, DEGT)])
    plsc.subcore_barrier()

    pltpu.sync_copy(dst_hbm.at[w], didx_v)

    def body(i, _):
        pltpu.async_copy(ones_v, dacc.at[didx_v.at[i]], dsem, add=True)
        return 0
    lax.fori_loop(0, NCHUNK, body, 0)

    def drain(i, _):
        pltpu.make_async_copy(ones_v, dacc.at[didx_v.at[i]], dsem).wait()
        return 0
    lax.fori_loop(0, NCHUNK, drain, 0)

    plsc.subcore_barrier()
    pltpu.sync_copy(dacc.at[pl.ds(s * DEGW, DEGW)], zbuf_v)
    pltpu.sync_copy(zbuf_v, out_hbm.at[pl.ds(c * N + s * DEGW, DEGW)])
    @pl.when(s == 0)
    def _():
        pltpu.sync_copy(dacc.at[pl.ds(NS * DEGW, DEGT)], zbuf_v.at[pl.ds(0, DEGT)])
        pltpu.sync_copy(zbuf_v.at[pl.ds(0, DEGT)],
                        out_hbm.at[pl.ds(c * N + NS * DEGW, DEGT)])


K = 5


@functools.partial(
    pl.kernel,
    out_type=jax.ShapeDtypeStruct((NC, N, HW), jnp.float32),
    mesh=_mesh,
    compiler_params=pltpu.CompilerParams(use_tc_tiling_on_sc=False),
    scratch_types=(
        [
            pltpu.VMEM((NCHUNK2, CH2), jnp.int32),
            pltpu.VMEM((NCHUNK2, CH2), jnp.int32),
        ]
        + [pltpu.VMEM((CH2, HW), jnp.float32) for _ in range(K)]
        + [
            pltpu.VMEM((ZR, HW), jnp.float32),
            pltpu.VMEM_SHARED((ACCR, HW), jnp.float32),
        ]
        + [pltpu.SemaphoreType.DMA for _ in range(2 * K)]
    ),
)
def _sc_scatter(y_hbm, src_hbm, dst_hbm, out_hbm, sidx_v, didx_v, *rest):
    rows = rest[:K]
    zbuf_v = rest[K]
    acc = rest[K + 1]
    gsem = rest[K + 2:2 * K + 2]
    ssem = rest[2 * K + 2:3 * K + 2]
    c = lax.axis_index("c")
    s = lax.axis_index("s")
    w = c * NS + s
    row0 = s * RPW

    pltpu.async_copy(src_hbm.at[w], sidx_v, gsem[0])
    pltpu.async_copy(dst_hbm.at[s], didx_v, gsem[1])

    _zero_vmem_2d(zbuf_v, ZR, HW)
    for t in range(RPW // ZR):
        pltpu.async_copy(zbuf_v, acc.at[pl.ds(row0 + t * ZR, ZR)], ssem[0])
    @pl.when(s == 0)
    def _():
        pltpu.sync_copy(zbuf_v.at[pl.ds(0, TAIL)], acc.at[pl.ds(NS * RPW, TAIL)])
    for t in range(RPW // ZR):
        pltpu.make_async_copy(zbuf_v, acc.at[pl.ds(row0 + t * ZR, ZR)],
                              ssem[0]).wait()

    pltpu.make_async_copy(src_hbm.at[w], sidx_v, gsem[0]).wait()
    pltpu.make_async_copy(dst_hbm.at[s], didx_v, gsem[1]).wait()
    plsc.subcore_barrier()

    for p in range(K - 1):
        pltpu.async_copy(y_hbm.at[sidx_v.at[p]], rows[p], gsem[p])

    def body(i, _):
        for m in range(K):
            mp = (m + K - 1) % K
            @pl.when(i % K == m)
            def _(m=m, mp=mp):
                pltpu.make_async_copy(y_hbm.at[sidx_v.at[i]], rows[m], gsem[m]).wait()
                pltpu.async_copy(rows[m], acc.at[didx_v.at[i]], ssem[m], add=True)
                @pl.when(i + K - 1 < NCHUNK2)
                def _():
                    @pl.when(i >= 1)
                    def _():
                        pltpu.make_async_copy(
                            rows[mp], acc.at[didx_v.at[i - 1]], ssem[mp]).wait()
                    pltpu.async_copy(y_hbm.at[sidx_v.at[i + K - 1]], rows[mp], gsem[mp])
        return 0
    lax.fori_loop(0, NCHUNK2, body, 0)

    for j in range(NCHUNK2 - K, NCHUNK2):
        pltpu.make_async_copy(rows[j % K], acc.at[didx_v.at[j]], ssem[j % K]).wait()

    plsc.subcore_barrier()
    wbufs = (zbuf_v, rows[0].at[pl.ds(0, ZR)])
    NT = RPW // ZR
    for t in range(NT):
        b = wbufs[t % 2]
        if t >= 2:
            pltpu.make_async_copy(
                b, out_hbm.at[c, pl.ds(row0 + (t - 2) * ZR, ZR)],
                ssem[1 + t % 2]).wait()
        pltpu.sync_copy(acc.at[pl.ds(row0 + t * ZR, ZR)], b)
        pltpu.async_copy(b, out_hbm.at[c, pl.ds(row0 + t * ZR, ZR)],
                         ssem[1 + t % 2])
    for t in range(NT - 2, NT):
        pltpu.make_async_copy(
            wbufs[t % 2], out_hbm.at[c, pl.ds(row0 + t * ZR, ZR)],
            ssem[1 + t % 2]).wait()
    @pl.when(s == 0)
    def _():
        pltpu.sync_copy(acc.at[pl.ds(NS * RPW, TAIL)], zbuf_v.at[pl.ds(0, TAIL)])
        pltpu.sync_copy(zbuf_v.at[pl.ds(0, TAIL)],
                        out_hbm.at[c, pl.ds(NS * RPW, TAIL)])


_NCHIP = 5
_RC = N // _NCHIP


def _tc_prep_body(deg_ref, x_ref, w1_ref, xw_ref, y_ref, dinv_ref):
    deg = deg_ref[0] + deg_ref[1] + 1.0
    dinv = lax.rsqrt(deg)
    xw = jnp.dot(x_ref[...], w1_ref[...], preferred_element_type=jnp.float32)
    xw_ref[...] = xw
    y = xw * dinv
    y_ref[0] = y[:, :HW]
    y_ref[1] = y[:, HW:]
    dinv_ref[...] = dinv


def _tc_mid_body(acc_ref, xw_ref, dinv_ref, b_ref, wn_ref, batch_ref, wfc_ref,
                 bfc_ref, xwn_ref, yn_ref, out_ref, pool_acc, cnt_acc):
    i = pl.program_id(0)

    @pl.when(i == 0)
    def _():
        pool_acc[...] = jnp.zeros_like(pool_acc)
        cnt_acc[...] = jnp.zeros_like(cnt_acc)

    dinv = dinv_ref[...]
    agg = jnp.concatenate([acc_ref[0], acc_ref[1]], axis=1)
    h = jnp.maximum(agg * dinv + xw_ref[...] * (dinv * dinv) + b_ref[...], 0.0)
    xwn = jnp.dot(h, wn_ref[...], preferred_element_type=jnp.float32)
    xwn_ref[...] = xwn
    yn = xwn * dinv
    yn_ref[0] = yn[:, :HW]
    yn_ref[1] = yn[:, HW:]

    seg = jax.lax.broadcasted_iota(jnp.int32, (G, _RC), 0)
    oh = (seg == batch_ref[0]).astype(jnp.float32)
    pool_acc[...] += jnp.dot(oh, h, preferred_element_type=jnp.float32)
    cnt_acc[...] += jnp.sum(oh, axis=1, keepdims=True)

    @pl.when(i == _NCHIP - 1)
    def _():
        pooled = pool_acc[...] / jnp.maximum(cnt_acc[...], 1.0)
        logits = jnp.dot(pooled, wfc_ref[...], preferred_element_type=jnp.float32)
        logits = logits + bfc_ref[...]
        m = jnp.max(logits, axis=1, keepdims=True)
        z = logits - m
        out_ref[...] = z - jnp.log(jnp.sum(jnp.exp(z), axis=1, keepdims=True))


def _row_chunk(i):
    return (i, 0)


_tc_prep = pl.pallas_call(
    _tc_prep_body,
    grid=(_NCHIP,),
    in_specs=[
        pl.BlockSpec((NC, _RC, 1), lambda i: (0, i, 0)),
        pl.BlockSpec((_RC, D), _row_chunk),
        pl.BlockSpec((D, H), lambda i: (0, 0)),
    ],
    out_specs=[
        pl.BlockSpec((_RC, H), _row_chunk),
        pl.BlockSpec((NC, _RC, HW), lambda i: (0, i, 0)),
        pl.BlockSpec((_RC, 1), _row_chunk),
    ],
    out_shape=[
        jax.ShapeDtypeStruct((N, H), jnp.float32),
        jax.ShapeDtypeStruct((NC, N, HW), jnp.float32),
        jax.ShapeDtypeStruct((N, 1), jnp.float32),
    ],
)

_tc_mid = pl.pallas_call(
    _tc_mid_body,
    grid=(_NCHIP,),
    in_specs=[
        pl.BlockSpec((NC, _RC, HW), lambda i: (0, i, 0)),
        pl.BlockSpec((_RC, H), _row_chunk),
        pl.BlockSpec((_RC, 1), _row_chunk),
        pl.BlockSpec((1, H), lambda i: (0, 0)),
        pl.BlockSpec((H, H), lambda i: (0, 0)),
        pl.BlockSpec((1, 1, _RC), lambda i: (i, 0, 0)),
        pl.BlockSpec((H, C), lambda i: (0, 0)),
        pl.BlockSpec((1, C), lambda i: (0, 0)),
    ],
    out_specs=[
        pl.BlockSpec((_RC, H), _row_chunk),
        pl.BlockSpec((NC, _RC, HW), lambda i: (0, i, 0)),
        pl.BlockSpec((G, C), lambda i: (0, 0)),
    ],
    out_shape=[
        jax.ShapeDtypeStruct((N, H), jnp.float32),
        jax.ShapeDtypeStruct((NC, N, HW), jnp.float32),
        jax.ShapeDtypeStruct((G, C), jnp.float32),
    ],
    scratch_shapes=[
        pltpu.VMEM((G, H), jnp.float32),
        pltpu.VMEM((G, 1), jnp.float32),
    ],
)


def kernel(x, edge_index, batch, W1, b1, W2, b2, Wfc, bfc):
    dst_deg = edge_index[1].reshape(NW, NCHUNK, CH)
    npad = EPAD - E
    pad_src = jnp.arange(npad, dtype=jnp.int32) % 16
    pad_dst = jnp.full((npad,), DUMP, dtype=jnp.int32)
    src_w = jnp.concatenate([edge_index[0], pad_src]).reshape(NS, NCHUNK2, CH2)
    src2 = jnp.concatenate([src_w[None], src_w[None] + N], axis=0)
    src2 = src2.reshape(NW, NCHUNK2, CH2)
    dst2 = jnp.concatenate([edge_index[1], pad_dst]).reshape(NS, NCHUNK2, CH2)
    batch2 = batch.reshape(_NCHIP, 1, _RC)

    deg = _sc_degree(dst_deg)
    deg3 = deg.reshape(NC, N, 1)

    xw1, y1, dinv = _tc_prep(deg3, x, W1)

    bs = jnp.stack([b1, b2]).reshape(2, 1, H)
    Wn = jnp.stack([W2, W2])

    def step(carry, xs):
        xw, y = carry
        b_i, wn_i = xs
        acc = _sc_scatter(y.reshape(NC * N, HW), src2, dst2)
        xwn, yn, logits = _tc_mid(acc, xw, dinv, b_i, wn_i, batch2,
                                  Wfc, bfc.reshape(1, C))
        return (xwn, yn), logits

    _, outs = lax.scan(step, (xw1, y1), (bs, Wn))
    return outs[1]

# --- scband reference (transcript-rebuilt; emitter-appended) ---
"""Pipeline reference for scband-gcnclassifier-44152263803370 (READ-ONLY COPY).

The authoritative reference and input builder live on the scoring server;
editing this copy changes nothing except your own understanding.
"""

import jax, jax.numpy as jnp
import numpy as np

N = 10000
E = 320000
D = 128
H = 128
C = 2
G = 64


def gcn_conv(x, edge_index, W, b, num_nodes):
    # torch_geometric GCNConv: add self-loops, symmetric normalization, linear, scatter-add
    loop = jnp.arange(num_nodes, dtype=edge_index.dtype)
    src = jnp.concatenate([edge_index[0], loop])
    dst = jnp.concatenate([edge_index[1], loop])
    deg = jnp.zeros((num_nodes,), x.dtype).at[dst].add(1.0)
    dinv = jnp.where(deg > 0, jax.lax.rsqrt(deg), 0.0)
    norm = dinv[src] * dinv[dst]
    xw = x @ W
    msg = xw[src] * norm[:, None]
    out = jnp.zeros((num_nodes, xw.shape[1]), x.dtype).at[dst].add(msg)
    return out + b


def setup_inputs(seed: int = 0) -> dict:
    key = jax.random.key(seed)
    ks = jax.random.split(key, 10)
    x = jax.random.normal(ks[0], (N, D), dtype=jnp.float32)
    edge_index = jax.random.randint(ks[1], (2, E), 0, N, dtype=jnp.int32)
    batch = jnp.sort(jax.random.randint(ks[2], (N,), 0, G, dtype=jnp.int32))
    W1 = jax.random.normal(ks[3], (D, H), dtype=jnp.float32) * (1.0 / np.sqrt(D))
    b1 = jnp.zeros((H,), dtype=jnp.float32)
    W2 = jax.random.normal(ks[4], (H, H), dtype=jnp.float32) * (1.0 / np.sqrt(H))
    b2 = jnp.zeros((H,), dtype=jnp.float32)
    Wfc = jax.random.normal(ks[5], (H, C), dtype=jnp.float32) * (1.0 / np.sqrt(H))
    bfc = jnp.zeros((C,), dtype=jnp.float32)
    return {"x": x, "edge_index": edge_index, "batch": batch,
            "W1": W1, "b1": b1, "W2": W2, "b2": b2, "Wfc": Wfc, "bfc": bfc}


def reference(x, edge_index, batch, W1, b1, W2, b2, Wfc, bfc):
    # Dropout is identity in eval mode.
    h = jax.nn.relu(gcn_conv(x, edge_index, W1, b1, N))
    h = jax.nn.relu(gcn_conv(h, edge_index, W2, b2, N))
    # global_mean_pool over graph segment ids
    sums = jax.ops.segment_sum(h, batch, num_segments=G)
    counts = jax.ops.segment_sum(jnp.ones((h.shape[0], 1), h.dtype), batch, num_segments=G)
    pooled = sums / jnp.maximum(counts, 1.0)
    logits = pooled @ Wfc + bfc
    return jax.nn.log_softmax(logits, axis=1)

if __name__ == "__main__":
    import jax
    _d = setup_inputs()
    print(jax.jit(kernel)(*tuple(_d.values())))

</pallas_src>

<mosaic_0001>
#map = affine_map<(d0, d1) -> (0, 0)>
#map1 = affine_map<(d0, d1) -> (0, 0, 0)>
module attributes {stable_mosaic.version = 14 : i64} {
  func.func @_sc_scatter(%arg0: i32, %arg1: i32, %arg2: memref<20000x64xf32, #tpu.memory_space<hbm>>, %arg3: memref<32x157x128xi32, #tpu.memory_space<hbm>>, %arg4: memref<16x157x128xi32, #tpu.memory_space<hbm>>, %arg5: memref<2x10000x64xf32, #tpu.memory_space<hbm>>, %arg6: memref<157x128xi32, #tpu.memory_space<vmem>>, %arg7: memref<157x128xi32, #tpu.memory_space<vmem>>, %arg8: memref<128x64xf32, #tpu.memory_space<vmem>>, %arg9: memref<128x64xf32, #tpu.memory_space<vmem>>, %arg10: memref<128x64xf32, #tpu.memory_space<vmem>>, %arg11: memref<128x64xf32, #tpu.memory_space<vmem>>, %arg12: memref<128x64xf32, #tpu.memory_space<vmem>>, %arg13: memref<104x64xf32, #tpu.memory_space<vmem>>, %arg14: memref<10008x64xf32, #tpu.memory_space<vmem_shared>>, %arg15: memref<!tpu.dma_semaphore, #tpu.memory_space<semaphore_mem>>, %arg16: memref<!tpu.dma_semaphore, #tpu.memory_space<semaphore_mem>>, %arg17: memref<!tpu.dma_semaphore, #tpu.memory_space<semaphore_mem>>, %arg18: memref<!tpu.dma_semaphore, #tpu.memory_space<semaphore_mem>>, %arg19: memref<!tpu.dma_semaphore, #tpu.memory_space<semaphore_mem>>, %arg20: memref<!tpu.dma_semaphore, #tpu.memory_space<semaphore_mem>>, %arg21: memref<!tpu.dma_semaphore, #tpu.memory_space<semaphore_mem>>, %arg22: memref<!tpu.dma_semaphore, #tpu.memory_space<semaphore_mem>>, %arg23: memref<!tpu.dma_semaphore, #tpu.memory_space<semaphore_mem>>, %arg24: memref<!tpu.dma_semaphore, #tpu.memory_space<semaphore_mem>>) attributes {dimension_semantics = [#tpu.dimension_semantics<core_parallel>, #tpu.dimension_semantics<subcore_parallel>], iteration_bounds = array<i64: 2, 16>, scalar_prefetch = 0 : i64, scratch_operands = 19 : i64, tpu.core_type = #tpu.core_type<sc_vector_subcore>, window_params = [{transform_indices = #map}, {transform_indices = #map1}, {transform_indices = #map1}, {transform_indices = #map1}]} {
    %mul3A = arith.constant 16 : i32
    %mul3A_0 = arith.muli %arg0, %mul3A : i32
    %add3A = arith.addi %mul3A_0, %arg1 : i32
    %mul3A_1 = arith.constant 624 : i32
    %mul3A_2 = arith.muli %arg1, %mul3A_1 : i32
    %dma_start3A = arith.constant 0 : i32
    %dma_start3A_3 = arith.constant 0 : i32
    %dma_start3A_4 = tpu.memref_slice %arg3[%add3A, %dma_start3A, %dma_start3A_3] : memref<32x157x128xi32, #tpu.memory_space<hbm>> -> memref<1x157x128xi32, #tpu.memory_space<hbm>>
    %dma_start3A_5 = tpu.memref_squeeze %dma_start3A_4 : memref<1x157x128xi32, #tpu.memory_space<hbm>> -> memref<157x128xi32, #tpu.memory_space<hbm>>
    %dma_start3A_6 = arith.constant 0 : i32
    %dma_start3A_7 = arith.constant 0 : i32
    %dma_start3A_8 = tpu.memref_slice %arg3[%add3A, %dma_start3A_6, %dma_start3A_7] : memref<32x157x128xi32, #tpu.memory_space<hbm>> -> memref<1x157x128xi32, #tpu.memory_space<hbm>>
    %dma_start3A_9 = tpu.memref_squeeze %dma_start3A_8 : memref<1x157x128xi32, #tpu.memory_space<hbm>> -> memref<157x128xi32, #tpu.memory_space<hbm>>
    tpu.enqueue_dma source(%dma_start3A_9 : memref<157x128xi32, #tpu.memory_space<hbm>>) target(%arg6 : memref<157x128xi32, #tpu.memory_space<vmem>>) target_semaphore(%arg15 : memref<!tpu.dma_semaphore, #tpu.memory_space<semaphore_mem>>)
    %dma_start3A_10 = arith.constant 0 : i32
    %dma_start3A_11 = arith.constant 0 : i32
    %dma_start3A_12 = tpu.memref_slice %arg4[%arg1, %dma_start3A_10, %dma_start3A_11] : memref<16x157x128xi32, #tpu.memory_space<hbm>> -> memref<1x157x128xi32, #tpu.memory_space<hbm>>
    %dma_start3A_13 = tpu.memref_squeeze %dma_start3A_12 : memref<1x157x128xi32, #tpu.memory_space<hbm>> -> memref<157x128xi32, #tpu.memory_space<hbm>>
    %dma_start3A_14 = arith.constant 0 : i32
    %dma_start3A_15 = arith.constant 0 : i32
    %dma_start3A_16 = tpu.memref_slice %arg4[%arg1, %dma_start3A_14, %dma_start3A_15] : memref<16x157x128xi32, #tpu.memory_space<hbm>> -> memref<1x157x128xi32, #tpu.memory_space<hbm>>
    %dma_start3A_17 = tpu.memref_squeeze %dma_start3A_16 : memref<1x157x128xi32, #tpu.memory_space<hbm>> -> memref<157x128xi32, #tpu.memory_space<hbm>>
    tpu.enqueue_dma source(%dma_start3A_17 : memref<157x128xi32, #tpu.memory_space<hbm>>) target(%arg7 : memref<157x128xi32, #tpu.memory_space<vmem>>) target_semaphore(%arg16 : memref<!tpu.dma_semaphore, #tpu.memory_space<semaphore_mem>>)
    %scan3A = arith.constant 0 : i32
    %scan3A_18 = arith.constant 0 : i32
    %scan3A_19 = arith.constant 416 : i32
    %scan3A_20 = arith.addi %scan3A_18, %scan3A_19 : i32
    %scan3A_21 = arith.constant 1 : i32
    %scan3A_22 = scf.for %scan3A_333 = %scan3A_18 to %scan3A_20 step %scan3A_21 iter_args(%scan3A_334 = %scan3A) -> (i32)  : i32 {
      %jit3A = arith.constant 4 : i32
      %div3A = arith.divsi %scan3A_333, %jit3A : i32
      %sign3A = arith.constant 0 : i32
      %sign3A_335 = arith.cmpi sgt, %scan3A_333, %sign3A : i32
      %sign3A_336 = arith.extui %sign3A_335 : i1 to i32
      %sign3A_337 = arith.constant 0 : i32
      %sign3A_338 = arith.cmpi slt, %scan3A_333, %sign3A_337 : i32
      %sign3A_339 = arith.extui %sign3A_338 : i1 to i32
      %sign3A_340 = arith.subi %sign3A_336, %sign3A_339 : i32
      %sign3A_341 = arith.constant 0 : i32
      %sign3A_342 = arith.cmpi sgt, %jit3A, %sign3A_341 : i32
      %sign3A_343 = arith.extui %sign3A_342 : i1 to i32
      %sign3A_344 = arith.constant 0 : i32
      %sign3A_345 = arith.cmpi slt, %jit3A, %sign3A_344 : i32
      %sign3A_346 = arith.extui %sign3A_345 : i1 to i32
      %sign3A_347 = arith.subi %sign3A_343, %sign3A_346 : i32
      %ne3A = arith.cmpi ne, %sign3A_340, %sign3A_347 : i32
      %rem3A = arith.remsi %scan3A_333, %jit3A : i32
      %ne3A_348 = arith.constant 0 : i32
      %ne3A_349 = arith.cmpi ne, %rem3A, %ne3A_348 : i32
      %and3A = arith.andi %ne3A, %ne3A_349 : i1
      %sub3A = arith.constant 1 : i32
      %sub3A_350 = arith.subi %div3A, %sub3A : i32
      %select_n3A = arith.select %and3A, %sub3A_350, %div3A : i32
      %jit3A_351 = arith.constant 4 : i32
      %eq3A_352 = arith.constant 0 : i32
      %eq3A_353 = arith.cmpi eq, %jit3A_351, %eq3A_352 : i32
      %jit3A_354 = arith.constant 1 : i32
      %select_n3A_355 = arith.select %eq3A_353, %jit3A_354, %jit3A_351 : i32
      %rem3A_356 = arith.remsi %scan3A_333, %select_n3A_355 : i32
      %ne3A_357 = arith.constant 0 : i32
      %ne3A_358 = arith.cmpi ne, %rem3A_356, %ne3A_357 : i32
      %lt3A = arith.constant 0 : i32
      %lt3A_359 = arith.cmpi slt, %rem3A_356, %lt3A : i32
      %lt3A_360 = arith.constant 0 : i32
      %lt3A_361 = arith.cmpi slt, %select_n3A_355, %lt3A_360 : i32
      %ne3A_362 = arith.xori %lt3A_359, %lt3A_361 : i1
      %and3A_363 = arith.andi %ne3A_362, %ne3A_358 : i1
      %add3A_364 = arith.addi %rem3A_356, %select_n3A_355 : i32
      %select_n3A_365 = arith.select %and3A_363, %add3A_364, %rem3A_356 : i32
      %mul3A_366 = arith.constant 16 : i32
      %mul3A_367 = arith.muli %select_n3A_365, %mul3A_366 : i32
      %broadcast_in_dim3A = arith.constant 0.000000e+00 : f32
      %broadcast_in_dim3A_368 = vector.broadcast %broadcast_in_dim3A : f32 to vector<16xf32>
      %swap3A = arith.index_cast %select_n3A : i32 to index
      %swap3A_369 = arith.index_cast %mul3A_367 : i32 to index
      %swap3A_370 = tpu.vector_load %arg13[%swap3A, %swap3A_369] {strides = array<i32>} : memref<104x64xf32, #tpu.memory_space<vmem>>, vector<1x16xf32>,
      %swap3A_371 = vector.shape_cast %swap3A_370 : vector<1x16xf32> to vector<16xf32>
      %swap3A_372 = vector.shape_cast %broadcast_in_dim3A_368 : vector<16xf32> to vector<1x16xf32>
      tpu.vector_store %arg13[%swap3A, %swap3A_369], %swap3A_372 {strides = array<i32>} : memref<104x64xf32, #tpu.memory_space<vmem>>, vector<1x16xf32>,
      %scan3A_373 = arith.constant 0 : i32
      scf.yield %scan3A_373 : i32
    }
    %scan3A_23 = arith.constant 416 : i32
    %add3A_24 = arith.constant 0 : i32
    %add3A_25 = arith.addi %mul3A_2, %add3A_24 : i32
    %dma_start3A_26 = arith.constant 0 : i32
    %dma_start3A_27 = tpu.memref_slice %arg14[%add3A_25, %dma_start3A_26] : memref<10008x64xf32, #tpu.memory_space<vmem_shared>> -> memref<104x64xf32, #tpu.memory_space<vmem_shared>>
    %dma_start3A_28 = arith.constant 0 : i32
    %dma_start3A_29 = tpu.memref_slice %arg14[%add3A_25, %dma_start3A_28] : memref<10008x64xf32, #tpu.memory_space<vmem_shared>> -> memref<104x64xf32, #tpu.memory_space<vmem_shared>>
    tpu.enqueue_dma source(%arg13 : memref<104x64xf32, #tpu.memory_space<vmem>>) target(%dma_start3A_29 : memref<104x64xf32, #tpu.memory_space<vmem_shared>>) target_semaphore(%arg20 : memref<!tpu.dma_semaphore, #tpu.memory_space<semaphore_mem>>)
    %add3A_30 = arith.constant 104 : i32
    %add3A_31 = arith.addi %mul3A_2, %add3A_30 : i32
    %dma_start3A_32 = arith.constant 0 : i32
    %dma_start3A_33 = tpu.memref_slice %arg14[%add3A_31, %dma_start3A_32] : memref<10008x64xf32, #tpu.memory_space<vmem_shared>> -> memref<104x64xf32, #tpu.memory_space<vmem_shared>>
    %dma_start3A_34 = arith.constant 0 : i32
    %dma_start3A_35 = tpu.memref_slice %arg14[%add3A_31, %dma_start3A_34] : memref<10008x64xf32, #tpu.memory_space<vmem_shared>> -> memref<104x64xf32, #tpu.memory_space<vmem_shared>>
    tpu.enqueue_dma source(%arg13 : memref<104x64xf32, #tpu.memory_space<vmem>>) target(%dma_start3A_35 : memref<104x64xf32, #tpu.memory_space<vmem_shared>>) target_semaphore(%arg20 : memref<!tpu.dma_semaphore, #tpu.memory_space<semaphore_mem>>)
    %add3A_36 = arith.constant 208 : i32
    %add3A_37 = arith.addi %mul3A_2, %add3A_36 : i32
    %dma_start3A_38 = arith.constant 0 : i32
    %dma_start3A_39 = tpu.memref_slice %arg14[%add3A_37, %dma_start3A_38] : memref<10008x64xf32, #tpu.memory_space<vmem_shared>> -> memref<104x64xf32, #tpu.memory_space<vmem_shared>>
    %dma_start3A_40 = arith.constant 0 : i32
    %dma_start3A_41 = tpu.memref_slice %arg14[%add3A_37, %dma_start3A_40] : memref<10008x64xf32, #tpu.memory_space<vmem_shared>> -> memref<104x64xf32, #tpu.memory_space<vmem_shared>>
    tpu.enqueue_dma source(%arg13 : memref<104x64xf32, #tpu.memory_space<vmem>>) target(%dma_start3A_41 : memref<104x64xf32, #tpu.memory_space<vmem_shared>>) target_semaphore(%arg20 : memref<!tpu.dma_semaphore, #tpu.memory_space<semaphore_mem>>)
    %add3A_42 = arith.constant 312 : i32
    %add3A_43 = arith.addi %mul3A_2, %add3A_42 : i32
    %dma_start3A_44 = arith.constant 0 : i32
    %dma_start3A_45 = tpu.memref_slice %arg14[%add3A_43, %dma_start3A_44] : memref<10008x64xf32, #tpu.memory_space<vmem_shared>> -> memref<104x64xf32, #tpu.memory_space<vmem_shared>>
    %dma_start3A_46 = arith.constant 0 : i32
    %dma_start3A_47 = tpu.memref_slice %arg14[%add3A_43, %dma_start3A_46] : memref<10008x64xf32, #tpu.memory_space<vmem_shared>> -> memref<104x64xf32, #tpu.memory_space<vmem_shared>>
    tpu.enqueue_dma source(%arg13 : memref<104x64xf32, #tpu.memory_space<vmem>>) target(%dma_start3A_47 : memref<104x64xf32, #tpu.memory_space<vmem_shared>>) target_semaphore(%arg20 : memref<!tpu.dma_semaphore, #tpu.memory_space<semaphore_mem>>)
    %add3A_48 = arith.constant 416 : i32
    %add3A_49 = arith.addi %mul3A_2, %add3A_48 : i32
    %dma_start3A_50 = arith.constant 0 : i32
    %dma_start3A_51 = tpu.memref_slice %arg14[%add3A_49, %dma_start3A_50] : memref<10008x64xf32, #tpu.memory_space<vmem_shared>> -> memref<104x64xf32, #tpu.memory_space<vmem_shared>>
    %dma_start3A_52 = arith.constant 0 : i32
    %dma_start3A_53 = tpu.memref_slice %arg14[%add3A_49, %dma_start3A_52] : memref<10008x64xf32, #tpu.memory_space<vmem_shared>> -> memref<104x64xf32, #tpu.memory_space<vmem_shared>>
    tpu.enqueue_dma source(%arg13 : memref<104x64xf32, #tpu.memory_space<vmem>>) target(%dma_start3A_53 : memref<104x64xf32, #tpu.memory_space<vmem_shared>>) target_semaphore(%arg20 : memref<!tpu.dma_semaphore, #tpu.memory_space<semaphore_mem>>)
    %add3A_54 = arith.constant 520 : i32
    %add3A_55 = arith.addi %mul3A_2, %add3A_54 : i32
    %dma_start3A_56 = arith.constant 0 : i32
    %dma_start3A_57 = tpu.memref_slice %arg14[%add3A_55, %dma_start3A_56] : memref<10008x64xf32, #tpu.memory_space<vmem_shared>> -> memref<104x64xf32, #tpu.memory_space<vmem_shared>>
    %dma_start3A_58 = arith.constant 0 : i32
    %dma_start3A_59 = tpu.memref_slice %arg14[%add3A_55, %dma_start3A_58] : memref<10008x64xf32, #tpu.memory_space<vmem_shared>> -> memref<104x64xf32, #tpu.memory_space<vmem_shared>>
    tpu.enqueue_dma source(%arg13 : memref<104x64xf32, #tpu.memory_space<vmem>>) target(%dma_start3A_59 : memref<104x64xf32, #tpu.memory_space<vmem_shared>>) target_semaphore(%arg20 : memref<!tpu.dma_semaphore, #tpu.memory_space<semaphore_mem>>)
    %eq3A = arith.constant 0 : i32
    %eq3A_60 = arith.cmpi eq, %arg1, %eq3A : i32
    %convert_element_type3A = arith.extui %eq3A_60 : i1 to i32
    %cond3A = arith.constant 0 : i32
    %cond3A_61 = arith.cmpi ne, %convert_element_type3A, %cond3A : i32
    scf.if %cond3A_61 {
      "tpu.region"() ({
        %run_scoped3A = tpu.sem_alloc : memref<!tpu.dma_semaphore, #tpu.memory_space<semaphore_mem>>
        %dma_start3A_333 = arith.constant 0 : i32
        %dma_start3A_334 = arith.constant 0 : i32
        %dma_start3A_335 = tpu.memref_slice %arg13[%dma_start3A_333, %dma_start3A_334] : memref<104x64xf32, #tpu.memory_space<vmem>> -> memref<16x64xf32, #tpu.memory_space<vmem>>
        %dma_start3A_336 = arith.constant 9984 : i32
        %dma_start3A_337 = arith.constant 0 : i32
        %dma_start3A_338 = tpu.memref_slice %arg14[%dma_start3A_336, %dma_start3A_337] : memref<10008x64xf32, #tpu.memory_space<vmem_shared>> -> memref<16x64xf32, #tpu.memory_space<vmem_shared>>
        %dma_start3A_339 = arith.constant 9984 : i32
        %dma_start3A_340 = arith.constant 0 : i32
        %dma_start3A_341 = tpu.memref_slice %arg14[%dma_start3A_339, %dma_start3A_340] : memref<10008x64xf32, #tpu.memory_space<vmem_shared>> -> memref<16x64xf32, #tpu.memory_space<vmem_shared>>
        %dma_start3A_342 = arith.constant 0 : i32
        %dma_start3A_343 = arith.constant 0 : i32
        %dma_start3A_344 = tpu.memref_slice %arg13[%dma_start3A_342, %dma_start3A_343] : memref<104x64xf32, #tpu.memory_space<vmem>> -> memref<16x64xf32, #tpu.memory_space<vmem>>
        tpu.enqueue_dma source(%dma_start3A_344 : memref<16x64xf32, #tpu.memory_space<vmem>>) target(%dma_start3A_341 : memref<16x64xf32, #tpu.memory_space<vmem_shared>>) target_semaphore(%run_scoped3A : memref<!tpu.dma_semaphore, #tpu.memory_space<semaphore_mem>>)
        %dma_wait3A_345 = arith.constant 0 : i32
        %dma_wait3A_346 = arith.constant 0 : i32
        %dma_wait3A_347 = tpu.memref_slice %arg13[%dma_wait3A_345, %dma_wait3A_346] : memref<104x64xf32, #tpu.memory_space<vmem>> -> memref<16x64xf32, #tpu.memory_space<vmem>>
        %dma_wait3A_348 = arith.constant 9984 : i32
        %dma_wait3A_349 = arith.constant 0 : i32
        %dma_wait3A_350 = tpu.memref_slice %arg14[%dma_wait3A_348, %dma_wait3A_349] : memref<10008x64xf32, #tpu.memory_space<vmem_shared>> -> memref<16x64xf32, #tpu.memory_space<vmem_shared>>
        %dma_wait3A_351 = arith.constant 9984 : i32
        %dma_wait3A_352 = arith.constant 0 : i32
        %dma_wait3A_353 = tpu.memref_slice %arg14[%dma_wait3A_351, %dma_wait3A_352] : memref<10008x64xf32, #tpu.memory_space<vmem_shared>> -> memref<16x64xf32, #tpu.memory_space<vmem_shared>>
        %dma_wait3A_354 = arith.constant 0 : i32
        %dma_wait3A_355 = arith.constant 0 : i32
        %dma_wait3A_356 = tpu.memref_slice %arg13[%dma_wait3A_354, %dma_wait3A_355] : memref<104x64xf32, #tpu.memory_space<vmem>> -> memref<16x64xf32, #tpu.memory_space<vmem>>
        tpu.wait_dma2 semaphore(%run_scoped3A : memref<!tpu.dma_semaphore, #tpu.memory_space<semaphore_mem>>) src(%dma_wait3A_356 : memref<16x64xf32, #tpu.memory_space<vmem>>) dst(%dma_wait3A_353 : memref<16x64xf32, #tpu.memory_space<vmem_shared>>)
        tpu.yield
      }) : () -> ()
    } else {
    }
    %add3A_62 = arith.constant 0 : i32
    %add3A_63 = arith.addi %mul3A_2, %add3A_62 : i32
    %dma_wait3A = arith.constant 0 : i32
    %dma_wait3A_64 = tpu.memref_slice %arg14[%add3A_63, %dma_wait3A] : memref<10008x64xf32, #tpu.memory_space<vmem_shared>> -> memref<104x64xf32, #tpu.memory_space<vmem_shared>>
    %dma_wait3A_65 = arith.constant 0 : i32
    %dma_wait3A_66 = tpu.memref_slice %arg14[%add3A_63, %dma_wait3A_65] : memref<10008x64xf32, #tpu.memory_space<vmem_shared>> -> memref<104x64xf32, #tpu.memory_space<vmem_shared>>
    tpu.wait_dma2 semaphore(%arg20 : memref<!tpu.dma_semaphore, #tpu.memory_space<semaphore_mem>>) src(%arg13 : memref<104x64xf32, #tpu.memory_space<vmem>>) dst(%dma_wait3A_66 : memref<104x64xf32, #tpu.memory_space<vmem_shared>>)
    %add3A_67 = arith.constant 104 : i32
    %add3A_68 = arith.addi %mul3A_2, %add3A_67 : i32
    %dma_wait3A_69 = arith.constant 0 : i32
    %dma_wait3A_70 = tpu.memref_slice %arg14[%add3A_68, %dma_wait3A_69] : memref<10008x64xf32, #tpu.memory_space<vmem_shared>> -> memref<104x64xf32, #tpu.memory_space<vmem_shared>>
    %dma_wait3A_71 = arith.constant 0 : i32
    %dma_wait3A_72 = tpu.memref_slice %arg14[%add3A_68, %dma_wait3A_71] : memref<10008x64xf32, #tpu.memory_space<vmem_shared>> -> memref<104x64xf32, #tpu.memory_space<vmem_shared>>
    tpu.wait_dma2 semaphore(%arg20 : memref<!tpu.dma_semaphore, #tpu.memory_space<semaphore_mem>>) src(%arg13 : memref<104x64xf32, #tpu.memory_space<vmem>>) dst(%dma_wait3A_72 : memref<104x64xf32, #tpu.memory_space<vmem_shared>>)
    %add3A_73 = arith.constant 208 : i32
    %add3A_74 = arith.addi %mul3A_2, %add3A_73 : i32
    %dma_wait3A_75 = arith.constant 0 : i32
    %dma_wait3A_76 = tpu.memref_slice %arg14[%add3A_74, %dma_wait3A_75] : memref<10008x64xf32, #tpu.memory_space<vmem_shared>> -> memref<104x64xf32, #tpu.memory_space<vmem_shared>>
    %dma_wait3A_77 = arith.constant 0 : i32
    %dma_wait3A_78 = tpu.memref_slice %arg14[%add3A_74, %dma_wait3A_77] : memref<10008x64xf32, #tpu.memory_space<vmem_shared>> -> memref<104x64xf32, #tpu.memory_space<vmem_shared>>
    tpu.wait_dma2 semaphore(%arg20 : memref<!tpu.dma_semaphore, #tpu.memory_space<semaphore_mem>>) src(%arg13 : memref<104x64xf32, #tpu.memory_space<vmem>>) dst(%dma_wait3A_78 : memref<104x64xf32, #tpu.memory_space<vmem_shared>>)
    %add3A_79 = arith.constant 312 : i32
    %add3A_80 = arith.addi %mul3A_2, %add3A_79 : i32
    %dma_wait3A_81 = arith.constant 0 : i32
    %dma_wait3A_82 = tpu.memref_slice %arg14[%add3A_80, %dma_wait3A_81] : memref<10008x64xf32, #tpu.memory_space<vmem_shared>> -> memref<104x64xf32, #tpu.memory_space<vmem_shared>>
    %dma_wait3A_83 = arith.constant 0 : i32
    %dma_wait3A_84 = tpu.memref_slice %arg14[%add3A_80, %dma_wait3A_83] : memref<10008x64xf32, #tpu.memory_space<vmem_shared>> -> memref<104x64xf32, #tpu.memory_space<vmem_shared>>
    tpu.wait_dma2 semaphore(%arg20 : memref<!tpu.dma_semaphore, #tpu.memory_space<semaphore_mem>>) src(%arg13 : memref<104x64xf32, #tpu.memory_space<vmem>>) dst(%dma_wait3A_84 : memref<104x64xf32, #tpu.memory_space<vmem_shared>>)
    %add3A_85 = arith.constant 416 : i32
    %add3A_86 = arith.addi %mul3A_2, %add3A_85 : i32
    %dma_wait3A_87 = arith.constant 0 : i32
    %dma_wait3A_88 = tpu.memref_slice %arg14[%add3A_86, %dma_wait3A_87] : memref<10008x64xf32, #tpu.memory_space<vmem_shared>> -> memref<104x64xf32, #tpu.memory_space<vmem_shared>>
    %dma_wait3A_89 = arith.constant 0 : i32
    %dma_wait3A_90 = tpu.memref_slice %arg14[%add3A_86, %dma_wait3A_89] : memref<10008x64xf32, #tpu.memory_space<vmem_shared>> -> memref<104x64xf32, #tpu.memory_space<vmem_shared>>
    tpu.wait_dma2 semaphore(%arg20 : memref<!tpu.dma_semaphore, #tpu.memory_space<semaphore_mem>>) src(%arg13 : memref<104x64xf32, #tpu.memory_space<vmem>>) dst(%dma_wait3A_90 : memref<104x64xf32, #tpu.memory_space<vmem_shared>>)
    %add3A_91 = arith.constant 520 : i32
    %add3A_92 = arith.addi %mul3A_2, %add3A_91 : i32
    %dma_wait3A_93 = arith.constant 0 : i32
    %dma_wait3A_94 = tpu.memref_slice %arg14[%add3A_92, %dma_wait3A_93] : memref<10008x64xf32, #tpu.memory_space<vmem_shared>> -> memref<104x64xf32, #tpu.memory_space<vmem_shared>>
    %dma_wait3A_95 = arith.constant 0 : i32
    %dma_wait3A_96 = tpu.memref_slice %arg14[%add3A_92, %dma_wait3A_95] : memref<10008x64xf32, #tpu.memory_space<vmem_shared>> -> memref<104x64xf32, #tpu.memory_space<vmem_shared>>
    tpu.wait_dma2 semaphore(%arg20 : memref<!tpu.dma_semaphore, #tpu.memory_space<semaphore_mem>>) src(%arg13 : memref<104x64xf32, #tpu.memory_space<vmem>>) dst(%dma_wait3A_96 : memref<104x64xf32, #tpu.memory_space<vmem_shared>>)
    %dma_wait3A_97 = arith.constant 0 : i32
    %dma_wait3A_98 = arith.constant 0 : i32
    %dma_wait3A_99 = tpu.memref_slice %arg3[%add3A, %dma_wait3A_97, %dma_wait3A_98] : memref<32x157x128xi32, #tpu.memory_space<hbm>> -> memref<1x157x128xi32, #tpu.memory_space<hbm>>
    %dma_wait3A_100 = tpu.memref_squeeze %dma_wait3A_99 : memref<1x157x128xi32, #tpu.memory_space<hbm>> -> memref<157x128xi32, #tpu.memory_space<hbm>>
    %dma_wait3A_101 = arith.constant 0 : i32
    %dma_wait3A_102 = arith.constant 0 : i32
    %dma_wait3A_103 = tpu.memref_slice %arg3[%add3A, %dma_wait3A_101, %dma_wait3A_102] : memref<32x157x128xi32, #tpu.memory_space<hbm>> -> memref<1x157x128xi32, #tpu.memory_space<hbm>>
    %dma_wait3A_104 = tpu.memref_squeeze %dma_wait3A_103 : memref<1x157x128xi32, #tpu.memory_space<hbm>> -> memref<157x128xi32, #tpu.memory_space<hbm>>
    tpu.wait_dma2 semaphore(%arg15 : memref<!tpu.dma_semaphore, #tpu.memory_space<semaphore_mem>>) src(%dma_wait3A_104 : memref<157x128xi32, #tpu.memory_space<hbm>>) dst(%arg6 : memref<157x128xi32, #tpu.memory_space<vmem>>)
    %dma_wait3A_105 = arith.constant 0 : i32
    %dma_wait3A_106 = arith.constant 0 : i32
    %dma_wait3A_107 = tpu.memref_slice %arg4[%arg1, %dma_wait3A_105, %dma_wait3A_106] : memref<16x157x128xi32, #tpu.memory_space<hbm>> -> memref<1x157x128xi32, #tpu.memory_space<hbm>>
    %dma_wait3A_108 = tpu.memref_squeeze %dma_wait3A_107 : memref<1x157x128xi32, #tpu.memory_space<hbm>> -> memref<157x128xi32, #tpu.memory_space<hbm>>
    %dma_wait3A_109 = arith.constant 0 : i32
    %dma_wait3A_110 = arith.constant 0 : i32
    %dma_wait3A_111 = tpu.memref_slice %arg4[%arg1, %dma_wait3A_109, %dma_wait3A_110] : memref<16x157x128xi32, #tpu.memory_space<hbm>> -> memref<1x157x128xi32, #tpu.memory_space<hbm>>
    %dma_wait3A_112 = tpu.memref_squeeze %dma_wait3A_111 : memref<1x157x128xi32, #tpu.memory_space<hbm>> -> memref<157x128xi32, #tpu.memory_space<hbm>>
    tpu.wait_dma2 semaphore(%arg16 : memref<!tpu.dma_semaphore, #tpu.memory_space<semaphore_mem>>) src(%dma_wait3A_112 : memref<157x128xi32, #tpu.memory_space<hbm>>) dst(%arg7 : memref<157x128xi32, #tpu.memory_space<vmem>>)
    %barrier3A = arith.constant 0 : index
    tpu.barrier barrier_id(%barrier3A)
    %dma_start3A_113 = arith.constant 0 : i32
    %dma_start3A_114 = arith.constant 0 : i32
    %dma_start3A_115 = tpu.memref_slice %arg6[%dma_start3A_113, %dma_start3A_114] : memref<157x128xi32, #tpu.memory_space<vmem>> -> memref<1x128xi32, #tpu.memory_space<vmem>>
    %dma_start3A_116 = tpu.memref_squeeze %dma_start3A_115 : memref<1x128xi32, #tpu.memory_space<vmem>> -> memref<128xi32, #tpu.memory_space<vmem>>
    %dma_start3A_117 = arith.constant 0 : i32
    %dma_start3A_118 = arith.constant 0 : i32
    %dma_start3A_119 = tpu.memref_slice %arg2[%dma_start3A_117, %dma_start3A_118] : memref<20000x64xf32, #tpu.memory_space<hbm>> -> memref<20000x64xf32, #tpu.memory_space<hbm>>
    tpu.enqueue_indirect_dma source(%dma_start3A_119 : memref<20000x64xf32, #tpu.memory_space<hbm>>) target(%arg8 : memref<128x64xf32, #tpu.memory_space<vmem>>) offsets(%dma_start3A_116 : memref<128xi32, #tpu.memory_space<vmem>>) semaphore(%arg15 : memref<!tpu.dma_semaphore, #tpu.memory_space<semaphore_mem>>)
    %dma_start3A_120 = arith.constant 1 : i32
    %dma_start3A_121 = arith.constant 0 : i32
    %dma_start3A_122 = tpu.memref_slice %arg6[%dma_start3A_120, %dma_start3A_121] : memref<157x128xi32, #tpu.memory_space<vmem>> -> memref<1x128xi32, #tpu.memory_space<vmem>>
    %dma_start3A_123 = tpu.memref_squeeze %dma_start3A_122 : memref<1x128xi32, #tpu.memory_space<vmem>> -> memref<128xi32, #tpu.memory_space<vmem>>
    %dma_start3A_124 = arith.constant 0 : i32
    %dma_start3A_125 = arith.constant 0 : i32
    %dma_start3A_126 = tpu.memref_slice %arg2[%dma_start3A_124, %dma_start3A_125] : memref<20000x64xf32, #tpu.memory_space<hbm>> -> memref<20000x64xf32, #tpu.memory_space<hbm>>
    tpu.enqueue_indirect_dma source(%dma_start3A_126 : memref<20000x64xf32, #tpu.memory_space<hbm>>) target(%arg9 : memref<128x64xf32, #tpu.memory_space<vmem>>) offsets(%dma_start3A_123 : memref<128xi32, #tpu.memory_space<vmem>>) semaphore(%arg16 : memref<!tpu.dma_semaphore, #tpu.memory_space<semaphore_mem>>)
    %dma_start3A_127 = arith.constant 2 : i32
    %dma_start3A_128 = arith.constant 0 : i32
    %dma_start3A_129 = tpu.memref_slice %arg6[%dma_start3A_127, %dma_start3A_128] : memref<157x128xi32, #tpu.memory_space<vmem>> -> memref<1x128xi32, #tpu.memory_space<vmem>>
    %dma_start3A_130 = tpu.memref_squeeze %dma_start3A_129 : memref<1x128xi32, #tpu.memory_space<vmem>> -> memref<128xi32, #tpu.memory_space<vmem>>
    %dma_start3A_131 = arith.constant 0 : i32
    %dma_start3A_132 = arith.constant 0 : i32
    %dma_start3A_133 = tpu.memref_slice %arg2[%dma_start3A_131, %dma_start3A_132] : memref<20000x64xf32, #tpu.memory_space<hbm>> -> memref<20000x64xf32, #tpu.memory_space<hbm>>
    tpu.enqueue_indirect_dma source(%dma_start3A_133 : memref<20000x64xf32, #tpu.memory_space<hbm>>) target(%arg10 : memref<128x64xf32, #tpu.memory_space<vmem>>) offsets(%dma_start3A_130 : memref<128xi32, #tpu.memory_space<vmem>>) semaphore(%arg17 : memref<!tpu.dma_semaphore, #tpu.memory_space<semaphore_mem>>)
    %dma_start3A_134 = arith.constant 3 : i32
    %dma_start3A_135 = arith.constant 0 : i32
    %dma_start3A_136 = tpu.memref_slice %arg6[%dma_start3A_134, %dma_start3A_135] : memref<157x128xi32, #tpu.memory_space<vmem>> -> memref<1x128xi32, #tpu.memory_space<vmem>>
    %dma_start3A_137 = tpu.memref_squeeze %dma_start3A_136 : memref<1x128xi32, #tpu.memory_space<vmem>> -> memref<128xi32, #tpu.memory_space<vmem>>
    %dma_start3A_138 = arith.constant 0 : i32
    %dma_start3A_139 = arith.constant 0 : i32
    %dma_start3A_140 = tpu.memref_slice %arg2[%dma_start3A_138, %dma_start3A_139] : memref<20000x64xf32, #tpu.memory_space<hbm>> -> memref<20000x64xf32, #tpu.memory_space<hbm>>
    tpu.enqueue_indirect_dma source(%dma_start3A_140 : memref<20000x64xf32, #tpu.memory_space<hbm>>) target(%arg11 : memref<128x64xf32, #tpu.memory_space<vmem>>) offsets(%dma_start3A_137 : memref<128xi32, #tpu.memory_space<vmem>>) semaphore(%arg18 : memref<!tpu.dma_semaphore, #tpu.memory_space<semaphore_mem>>)
    %scan3A_141 = arith.constant 0 : i32
    %scan3A_142 = arith.constant 0 : i32
    %scan3A_143 = arith.constant 157 : i32
    %scan3A_144 = arith.addi %scan3A_142, %scan3A_143 : i32
    %scan3A_145 = arith.constant 1 : i32
    %scan3A_146 = scf.for %scan3A_333 = %scan3A_142 to %scan3A_144 step %scan3A_145 iter_args(%scan3A_334 = %scan3A_141) -> (i32)  : i32 {
      %jit3A = arith.constant 5 : i32
      %eq3A_335 = arith.constant 0 : i32
      %eq3A_336 = arith.cmpi eq, %jit3A, %eq3A_335 : i32
      %jit3A_337 = arith.constant 1 : i32
      %select_n3A = arith.select %eq3A_336, %jit3A_337, %jit3A : i32
      %rem3A = arith.remsi %scan3A_333, %select_n3A : i32
      %ne3A = arith.constant 0 : i32
      %ne3A_338 = arith.cmpi ne, %rem3A, %ne3A : i32
      %lt3A = arith.constant 0 : i32
      %lt3A_339 = arith.cmpi slt, %rem3A, %lt3A : i32
      %lt3A_340 = arith.constant 0 : i32
      %lt3A_341 = arith.cmpi slt, %select_n3A, %lt3A_340 : i32
      %ne3A_342 = arith.xori %lt3A_339, %lt3A_341 : i1
      %and3A = arith.andi %ne3A_342, %ne3A_338 : i1
      %add3A_343 = arith.addi %rem3A, %select_n3A : i32
      %select_n3A_344 = arith.select %and3A, %add3A_343, %rem3A : i32
      %eq3A_345 = arith.constant 0 : i32
      %eq3A_346 = arith.cmpi eq, %select_n3A_344, %eq3A_345 : i32
      %convert_element_type3A_347 = arith.extui %eq3A_346 : i1 to i32
      %cond3A_348 = arith.constant 0 : i32
      %cond3A_349 = arith.cmpi ne, %convert_element_type3A_347, %cond3A_348 : i32
      scf.if %cond3A_349 {
        %dma_wait3A_435 = arith.constant 0 : i32
        %dma_wait3A_436 = tpu.memref_slice %arg6[%scan3A_333, %dma_wait3A_435] : memref<157x128xi32, #tpu.memory_space<vmem>> -> memref<1x128xi32, #tpu.memory_space<vmem>>
        %dma_wait3A_437 = tpu.memref_squeeze %dma_wait3A_436 : memref<1x128xi32, #tpu.memory_space<vmem>> -> memref<128xi32, #tpu.memory_space<vmem>>
        %dma_wait3A_438 = arith.constant 0 : i32
        %dma_wait3A_439 = arith.constant 0 : i32
        %dma_wait3A_440 = tpu.memref_slice %arg2[%dma_wait3A_438, %dma_wait3A_439] : memref<20000x64xf32, #tpu.memory_space<hbm>> -> memref<20000x64xf32, #tpu.memory_space<hbm>>
        tpu.wait_indirect_dma semaphore(%arg15 : memref<!tpu.dma_semaphore, #tpu.memory_space<semaphore_mem>>) src(%dma_wait3A_440 : memref<20000x64xf32, #tpu.memory_space<hbm>>) dst(%arg8 : memref<128x64xf32, #tpu.memory_space<vmem>>)
        %dma_start3A_441 = arith.constant 0 : i32
        %dma_start3A_442 = tpu.memref_slice %arg7[%scan3A_333, %dma_start3A_441] : memref<157x128xi32, #tpu.memory_space<vmem>> -> memref<1x128xi32, #tpu.memory_space<vmem>>
        %dma_start3A_443 = tpu.memref_squeeze %dma_start3A_442 : memref<1x128xi32, #tpu.memory_space<vmem>> -> memref<128xi32, #tpu.memory_space<vmem>>
        %dma_start3A_444 = arith.constant 0 : i32
        %dma_start3A_445 = arith.constant 0 : i32
        %dma_start3A_446 = tpu.memref_slice %arg14[%dma_start3A_444, %dma_start3A_445] : memref<10008x64xf32, #tpu.memory_space<vmem_shared>> -> memref<10008x64xf32, #tpu.memory_space<vmem_shared>>
        tpu.enqueue_indirect_dma source(%arg8 : memref<128x64xf32, #tpu.memory_space<vmem>>) target(%dma_start3A_446 : memref<10008x64xf32, #tpu.memory_space<vmem_shared>>) offsets(%dma_start3A_443 : memref<128xi32, #tpu.memory_space<vmem>>) semaphore(%arg20 : memref<!tpu.dma_semaphore, #tpu.memory_space<semaphore_mem>>) {add = true}
        %add3A_447 = arith.constant 5 : i32
        %add3A_448 = arith.addi %scan3A_333, %add3A_447 : i32
        %sub3A = arith.constant 1 : i32
        %sub3A_449 = arith.subi %add3A_448, %sub3A : i32
        %lt3A_450 = arith.constant 157 : i32
        %lt3A_451 = arith.cmpi slt, %sub3A_449, %lt3A_450 : i32
        %convert_element_type3A_452 = arith.extui %lt3A_451 : i1 to i32
        %cond3A_453 = arith.constant 0 : i32
        %cond3A_454 = arith.cmpi ne, %convert_element_type3A_452, %cond3A_453 : i32
        scf.if %cond3A_454 {
          %ge3A = arith.constant 1 : i32
          %ge3A_455 = arith.cmpi sge, %scan3A_333, %ge3A : i32
          %convert_element_type3A_456 = arith.extui %ge3A_455 : i1 to i32
          %cond3A_457 = arith.constant 0 : i32
          %cond3A_458 = arith.cmpi ne, %convert_element_type3A_456, %cond3A_457 : i32
          scf.if %cond3A_458 {
            %sub3A_469 = arith.constant 1 : i32
            %sub3A_470 = arith.subi %scan3A_333, %sub3A_469 : i32
            %dma_wait3A_471 = arith.constant 0 : i32
            %dma_wait3A_472 = tpu.memref_slice %arg7[%sub3A_470, %dma_wait3A_471] : memref<157x128xi32, #tpu.memory_space<vmem>> -> memref<1x128xi32, #tpu.memory_space<vmem>>
            %dma_wait3A_473 = tpu.memref_squeeze %dma_wait3A_472 : memref<1x128xi32, #tpu.memory_space<vmem>> -> memref<128xi32, #tpu.memory_space<vmem>>
            %dma_wait3A_474 = arith.constant 0 : i32
            %dma_wait3A_475 = arith.constant 0 : i32
            %dma_wait3A_476 = tpu.memref_slice %arg14[%dma_wait3A_474, %dma_wait3A_475] : memref<10008x64xf32, #tpu.memory_space<vmem_shared>> -> memref<10008x64xf32, #tpu.memory_space<vmem_shared>>
            tpu.wait_indirect_dma semaphore(%arg24 : memref<!tpu.dma_semaphore, #tpu.memory_space<semaphore_mem>>) src(%arg12 : memref<128x64xf32, #tpu.memory_space<vmem>>) dst(%dma_wait3A_476 : memref<10008x64xf32, #tpu.memory_space<vmem_shared>>)
          } else {
          }
          %add3A_459 = arith.constant 5 : i32
          %add3A_460 = arith.addi %scan3A_333, %add3A_459 : i32
          %sub3A_461 = arith.constant 1 : i32
          %sub3A_462 = arith.subi %add3A_460, %sub3A_461 : i32
          %dma_start3A_463 = arith.constant 0 : i32
          %dma_start3A_464 = tpu.memref_slice %arg6[%sub3A_462, %dma_start3A_463] : memref<157x128xi32, #tpu.memory_space<vmem>> -> memref<1x128xi32, #tpu.memory_space<vmem>>
          %dma_start3A_465 = tpu.memref_squeeze %dma_start3A_464 : memref<1x128xi32, #tpu.memory_space<vmem>> -> memref<128xi32, #tpu.memory_space<vmem>>
          %dma_start3A_466 = arith.constant 0 : i32
          %dma_start3A_467 = arith.constant 0 : i32
          %dma_start3A_468 = tpu.memref_slice %arg2[%dma_start3A_466, %dma_start3A_467] : memref<20000x64xf32, #tpu.memory_space<hbm>> -> memref<20000x64xf32, #tpu.memory_space<hbm>>
          tpu.enqueue_indirect_dma source(%dma_start3A_468 : memref<20000x64xf32, #tpu.memory_space<hbm>>) target(%arg12 : memref<128x64xf32, #tpu.memory_space<vmem>>) offsets(%dma_start3A_465 : memref<128xi32, #tpu.memory_space<vmem>>) semaphore(%arg19 : memref<!tpu.dma_semaphore, #tpu.memory_space<semaphore_mem>>)
        } else {
        }
      } else {
      }
      %jit3A_350 = arith.constant 5 : i32
      %eq3A_351 = arith.constant 0 : i32
      %eq3A_352 = arith.cmpi eq, %jit3A_350, %eq3A_351 : i32
      %jit3A_353 = arith.constant 1 : i32
      %select_n3A_354 = arith.select %eq3A_352, %jit3A_353, %jit3A_350 : i32
      %rem3A_355 = arith.remsi %scan3A_333, %select_n3A_354 : i32
      %ne3A_356 = arith.constant 0 : i32
      %ne3A_357 = arith.cmpi ne, %rem3A_355, %ne3A_356 : i32
      %lt3A_358 = arith.constant 0 : i32
      %lt3A_359 = arith.cmpi slt, %rem3A_355, %lt3A_358 : i32
      %lt3A_360 = arith.constant 0 : i32
      %lt3A_361 = arith.cmpi slt, %select_n3A_354, %lt3A_360 : i32
      %ne3A_362 = arith.xori %lt3A_359, %lt3A_361 : i1
      %and3A_363 = arith.andi %ne3A_362, %ne3A_357 : i1
      %add3A_364 = arith.addi %rem3A_355, %select_n3A_354 : i32
      %select_n3A_365 = arith.select %and3A_363, %add3A_364, %rem3A_355 : i32
      %eq3A_366 = arith.constant 1 : i32
      %eq3A_367 = arith.cmpi eq, %select_n3A_365, %eq3A_366 : i32
      %convert_element_type3A_368 = arith.extui %eq3A_367 : i1 to i32
      %cond3A_369 = arith.constant 0 : i32
      %cond3A_370 = arith.cmpi ne, %convert_element_type3A_368, %cond3A_369 : i32
      scf.if %cond3A_370 {
        %dma_wait3A_435 = arith.constant 0 : i32
        %dma_wait3A_436 = tpu.memref_slice %arg6[%scan3A_333, %dma_wait3A_435] : memref<157x128xi32, #tpu.memory_space<vmem>> -> memref<1x128xi32, #tpu.memory_space<vmem>>
        %dma_wait3A_437 = tpu.memref_squeeze %dma_wait3A_436 : memref<1x128xi32, #tpu.memory_space<vmem>> -> memref<128xi32, #tpu.memory_space<vmem>>
        %dma_wait3A_438 = arith.constant 0 : i32
        %dma_wait3A_439 = arith.constant 0 : i32
        %dma_wait3A_440 = tpu.memref_slice %arg2[%dma_wait3A_438, %dma_wait3A_439] : memref<20000x64xf32, #tpu.memory_space<hbm>> -> memref<20000x64xf32, #tpu.memory_space<hbm>>
        tpu.wait_indirect_dma semaphore(%arg16 : memref<!tpu.dma_semaphore, #tpu.memory_space<semaphore_mem>>) src(%dma_wait3A_440 : memref<20000x64xf32, #tpu.memory_space<hbm>>) dst(%arg9 : memref<128x64xf32, #tpu.memory_space<vmem>>)
        %dma_start3A_441 = arith.constant 0 : i32
        %dma_start3A_442 = tpu.memref_slice %arg7[%scan3A_333, %dma_start3A_441] : memref<157x128xi32, #tpu.memory_space<vmem>> -> memref<1x128xi32, #tpu.memory_space<vmem>>
        %dma_start3A_443 = tpu.memref_squeeze %dma_start3A_442 : memref<1x128xi32, #tpu.memory_space<vmem>> -> memref<128xi32, #tpu.memory_space<vmem>>
        %dma_start3A_444 = arith.constant 0 : i32
        %dma_start3A_445 = arith.constant 0 : i32
        %dma_start3A_446 = tpu.memref_slice %arg14[%dma_start3A_444, %dma_start3A_445] : memref<10008x64xf32, #tpu.memory_space<vmem_shared>> -> memref<10008x64xf32, #tpu.memory_space<vmem_shared>>
        tpu.enqueue_indirect_dma source(%arg9 : memref<128x64xf32, #tpu.memory_space<vmem>>) target(%dma_start3A_446 : memref<10008x64xf32, #tpu.memory_space<vmem_shared>>) offsets(%dma_start3A_443 : memref<128xi32, #tpu.memory_space<vmem>>) semaphore(%arg21 : memref<!tpu.dma_semaphore, #tpu.memory_space<semaphore_mem>>) {add = true}
        %add3A_447 = arith.constant 5 : i32
        %add3A_448 = arith.addi %scan3A_333, %add3A_447 : i32
        %sub3A = arith.constant 1 : i32
        %sub3A_449 = arith.subi %add3A_448, %sub3A : i32
        %lt3A_450 = arith.constant 157 : i32
        %lt3A_451 = arith.cmpi slt, %sub3A_449, %lt3A_450 : i32
        %convert_element_type3A_452 = arith.extui %lt3A_451 : i1 to i32
        %cond3A_453 = arith.constant 0 : i32
        %cond3A_454 = arith.cmpi ne, %convert_element_type3A_452, %cond3A_453 : i32
        scf.if %cond3A_454 {
          %ge3A = arith.constant 1 : i32
          %ge3A_455 = arith.cmpi sge, %scan3A_333, %ge3A : i32
          %convert_element_type3A_456 = arith.extui %ge3A_455 : i1 to i32
          %cond3A_457 = arith.constant 0 : i32
          %cond3A_458 = arith.cmpi ne, %convert_element_type3A_456, %cond3A_457 : i32
          scf.if %cond3A_458 {
            %sub3A_469 = arith.constant 1 : i32
            %sub3A_470 = arith.subi %scan3A_333, %sub3A_469 : i32
            %dma_wait3A_471 = arith.constant 0 : i32
            %dma_wait3A_472 = tpu.memref_slice %arg7[%sub3A_470, %dma_wait3A_471] : memref<157x128xi32, #tpu.memory_space<vmem>> -> memref<1x128xi32, #tpu.memory_space<vmem>>
            %dma_wait3A_473 = tpu.memref_squeeze %dma_wait3A_472 : memref<1x128xi32, #tpu.memory_space<vmem>> -> memref<128xi32, #tpu.memory_space<vmem>>
            %dma_wait3A_474 = arith.constant 0 : i32
            %dma_wait3A_475 = arith.constant 0 : i32
            %dma_wait3A_476 = tpu.memref_slice %arg14[%dma_wait3A_474, %dma_wait3A_475] : memref<10008x64xf32, #tpu.memory_space<vmem_shared>> -> memref<10008x64xf32, #tpu.memory_space<vmem_shared>>
            tpu.wait_indirect_dma semaphore(%arg20 : memref<!tpu.dma_semaphore, #tpu.memory_space<semaphore_mem>>) src(%arg8 : memref<128x64xf32, #tpu.memory_space<vmem>>) dst(%dma_wait3A_476 : memref<10008x64xf32, #tpu.memory_space<vmem_shared>>)
          } else {
          }
          %add3A_459 = arith.constant 5 : i32
          %add3A_460 = arith.addi %scan3A_333, %add3A_459 : i32
          %sub3A_461 = arith.constant 1 : i32
          %sub3A_462 = arith.subi %add3A_460, %sub3A_461 : i32
          %dma_start3A_463 = arith.constant 0 : i32
          %dma_start3A_464 = tpu.memref_slice %arg6[%sub3A_462, %dma_start3A_463] : memref<157x128xi32, #tpu.memory_space<vmem>> -> memref<1x128xi32, #tpu.memory_space<vmem>>
          %dma_start3A_465 = tpu.memref_squeeze %dma_start3A_464 : memref<1x128xi32, #tpu.memory_space<vmem>> -> memref<128xi32, #tpu.memory_space<vmem>>
          %dma_start3A_466 = arith.constant 0 : i32
          %dma_start3A_467 = arith.constant 0 : i32
          %dma_start3A_468 = tpu.memref_slice %arg2[%dma_start3A_466, %dma_start3A_467] : memref<20000x64xf32, #tpu.memory_space<hbm>> -> memref<20000x64xf32, #tpu.memory_space<hbm>>
          tpu.enqueue_indirect_dma source(%dma_start3A_468 : memref<20000x64xf32, #tpu.memory_space<hbm>>) target(%arg8 : memref<128x64xf32, #tpu.memory_space<vmem>>) offsets(%dma_start3A_465 : memref<128xi32, #tpu.memory_space<vmem>>) semaphore(%arg15 : memref<!tpu.dma_semaphore, #tpu.memory_space<semaphore_mem>>)
        } else {
        }
      } else {
      }
      %jit3A_371 = arith.constant 5 : i32
      %eq3A_372 = arith.constant 0 : i32
      %eq3A_373 = arith.cmpi eq, %jit3A_371, %eq3A_372 : i32
      %jit3A_374 = arith.constant 1 : i32
      %select_n3A_375 = arith.select %eq3A_373, %jit3A_374, %jit3A_371 : i32
      %rem3A_376 = arith.remsi %scan3A_333, %select_n3A_375 : i32
      %ne3A_377 = arith.constant 0 : i32
      %ne3A_378 = arith.cmpi ne, %rem3A_376, %ne3A_377 : i32
      %lt3A_379 = arith.constant 0 : i32
      %lt3A_380 = arith.cmpi slt, %rem3A_376, %lt3A_379 : i32
      %lt3A_381 = arith.constant 0 : i32
      %lt3A_382 = arith.cmpi slt, %select_n3A_375, %lt3A_381 : i32
      %ne3A_383 = arith.xori %lt3A_380, %lt3A_382 : i1
      %and3A_384 = arith.andi %ne3A_383, %ne3A_378 : i1
      %add3A_385 = arith.addi %rem3A_376, %select_n3A_375 : i32
      %select_n3A_386 = arith.select %and3A_384, %add3A_385, %rem3A_376 : i32
      %eq3A_387 = arith.constant 2 : i32
      %eq3A_388 = arith.cmpi eq, %select_n3A_386, %eq3A_387 : i32
      %convert_element_type3A_389 = arith.extui %eq3A_388 : i1 to i32
      %cond3A_390 = arith.constant 0 : i32
      %cond3A_391 = arith.cmpi ne, %convert_element_type3A_389, %cond3A_390 : i32
      scf.if %cond3A_391 {
        %dma_wait3A_435 = arith.constant 0 : i32
        %dma_wait3A_436 = tpu.memref_slice %arg6[%scan3A_333, %dma_wait3A_435] : memref<157x128xi32, #tpu.memory_space<vmem>> -> memref<1x128xi32, #tpu.memory_space<vmem>>
        %dma_wait3A_437 = tpu.memref_squeeze %dma_wait3A_436 : memref<1x128xi32, #tpu.memory_space<vmem>> -> memref<128xi32, #tpu.memory_space<vmem>>
        %dma_wait3A_438 = arith.constant 0 : i32
        %dma_wait3A_439 = arith.constant 0 : i32
        %dma_wait3A_440 = tpu.memref_slice %arg2[%dma_wait3A_438, %dma_wait3A_439] : memref<20000x64xf32, #tpu.memory_space<hbm>> -> memref<20000x64xf32, #tpu.memory_space<hbm>>
        tpu.wait_indirect_dma semaphore(%arg17 : memref<!tpu.dma_semaphore, #tpu.memory_space<semaphore_mem>>) src(%dma_wait3A_440 : memref<20000x64xf32, #tpu.memory_space<hbm>>) dst(%arg10 : memref<128x64xf32, #tpu.memory_space<vmem>>)
        %dma_start3A_441 = arith.constant 0 : i32
        %dma_start3A_442 = tpu.memref_slice %arg7[%scan3A_333, %dma_start3A_441] : memref<157x128xi32, #tpu.memory_space<vmem>> -> memref<1x128xi32, #tpu.memory_space<vmem>>
        %dma_start3A_443 = tpu.memref_squeeze %dma_start3A_442 : memref<1x128xi32, #tpu.memory_space<vmem>> -> memref<128xi32, #tpu.memory_space<vmem>>
        %dma_start3A_444 = arith.constant 0 : i32
        %dma_start3A_445 = arith.constant 0 : i32
        %dma_start3A_446 = tpu.memref_slice %arg14[%dma_start3A_444, %dma_start3A_445] : memref<10008x64xf32, #tpu.memory_space<vmem_shared>> -> memref<10008x64xf32, #tpu.memory_space<vmem_shared>>
        tpu.enqueue_indirect_dma source(%arg10 : memref<128x64xf32, #tpu.memory_space<vmem>>) target(%dma_start3A_446 : memref<10008x64xf32, #tpu.memory_space<vmem_shared>>) offsets(%dma_start3A_443 : memref<128xi32, #tpu.memory_space<vmem>>) semaphore(%arg22 : memref<!tpu.dma_semaphore, #tpu.memory_space<semaphore_mem>>) {add = true}
        %add3A_447 = arith.constant 5 : i32
        %add3A_448 = arith.addi %scan3A_333, %add3A_447 : i32
        %sub3A = arith.constant 1 : i32
        %sub3A_449 = arith.subi %add3A_448, %sub3A : i32
        %lt3A_450 = arith.constant 157 : i32
        %lt3A_451 = arith.cmpi slt, %sub3A_449, %lt3A_450 : i32
        %convert_element_type3A_452 = arith.extui %lt3A_451 : i1 to i32
        %cond3A_453 = arith.constant 0 : i32
        %cond3A_454 = arith.cmpi ne, %convert_element_type3A_452, %cond3A_453 : i32
        scf.if %cond3A_454 {
          %ge3A = arith.constant 1 : i32
          %ge3A_455 = arith.cmpi sge, %scan3A_333, %ge3A : i32
          %convert_element_type3A_456 = arith.extui %ge3A_455 : i1 to i32
          %cond3A_457 = arith.constant 0 : i32
          %cond3A_458 = arith.cmpi ne, %convert_element_type3A_456, %cond3A_457 : i32
          scf.if %cond3A_458 {
            %sub3A_469 = arith.constant 1 : i32
            %sub3A_470 = arith.subi %scan3A_333, %sub3A_469 : i32
            %dma_wait3A_471 = arith.constant 0 : i32
            %dma_wait3A_472 = tpu.memref_slice %arg7[%sub3A_470, %dma_wait3A_471] : memref<157x128xi32, #tpu.memory_space<vmem>> -> memref<1x128xi32, #tpu.memory_space<vmem>>
            %dma_wait3A_473 = tpu.memref_squeeze %dma_wait3A_472 : memref<1x128xi32, #tpu.memory_space<vmem>> -> memref<128xi32, #tpu.memory_space<vmem>>
            %dma_wait3A_474 = arith.constant 0 : i32
            %dma_wait3A_475 = arith.constant 0 : i32
            %dma_wait3A_476 = tpu.memref_slice %arg14[%dma_wait3A_474, %dma_wait3A_475] : memref<10008x64xf32, #tpu.memory_space<vmem_shared>> -> memref<10008x64xf32, #tpu.memory_space<vmem_shared>>
            tpu.wait_indirect_dma semaphore(%arg21 : memref<!tpu.dma_semaphore, #tpu.memory_space<semaphore_mem>>) src(%arg9 : memref<128x64xf32, #tpu.memory_space<vmem>>) dst(%dma_wait3A_476 : memref<10008x64xf32, #tpu.memory_space<vmem_shared>>)
          } else {
          }
          %add3A_459 = arith.constant 5 : i32
          %add3A_460 = arith.addi %scan3A_333, %add3A_459 : i32
          %sub3A_461 = arith.constant 1 : i32
          %sub3A_462 = arith.subi %add3A_460, %sub3A_461 : i32
          %dma_start3A_463 = arith.constant 0 : i32
          %dma_start3A_464 = tpu.memref_slice %arg6[%sub3A_462, %dma_start3A_463] : memref<157x128xi32, #tpu.memory_space<vmem>> -> memref<1x128xi32, #tpu.memory_space<vmem>>
          %dma_start3A_465 = tpu.memref_squeeze %dma_start3A_464 : memref<1x128xi32, #tpu.memory_space<vmem>> -> memref<128xi32, #tpu.memory_space<vmem>>
          %dma_start3A_466 = arith.constant 0 : i32
          %dma_start3A_467 = arith.constant 0 : i32
          %dma_start3A_468 = tpu.memref_slice %arg2[%dma_start3A_466, %dma_start3A_467] : memref<20000x64xf32, #tpu.memory_space<hbm>> -> memref<20000x64xf32, #tpu.memory_space<hbm>>
          tpu.enqueue_indirect_dma source(%dma_start3A_468 : memref<20000x64xf32, #tpu.memory_space<hbm>>) target(%arg9 : memref<128x64xf32, #tpu.memory_space<vmem>>) offsets(%dma_start3A_465 : memref<128xi32, #tpu.memory_space<vmem>>) semaphore(%arg16 : memref<!tpu.dma_semaphore, #tpu.memory_space<semaphore_mem>>)
        } else {
        }
      } else {
      }
      %jit3A_392 = arith.constant 5 : i32
      %eq3A_393 = arith.constant 0 : i32
      %eq3A_394 = arith.cmpi eq, %jit3A_392, %eq3A_393 : i32
      %jit3A_395 = arith.constant 1 : i32
      %select_n3A_396 = arith.select %eq3A_394, %jit3A_395, %jit3A_392 : i32
      %rem3A_397 = arith.remsi %scan3A_333, %select_n3A_396 : i32
      %ne3A_398 = arith.constant 0 : i32
      %ne3A_399 = arith.cmpi ne, %rem3A_397, %ne3A_398 : i32
      %lt3A_400 = arith.constant 0 : i32
      %lt3A_401 = arith.cmpi slt, %rem3A_397, %lt3A_400 : i32
      %lt3A_402 = arith.constant 0 : i32
      %lt3A_403 = arith.cmpi slt, %select_n3A_396, %lt3A_402 : i32
      %ne3A_404 = arith.xori %lt3A_401, %lt3A_403 : i1
      %and3A_405 = arith.andi %ne3A_404, %ne3A_399 : i1
      %add3A_406 = arith.addi %rem3A_397, %select_n3A_396 : i32
      %select_n3A_407 = arith.select %and3A_405, %add3A_406, %rem3A_397 : i32
      %eq3A_408 = arith.constant 3 : i32
      %eq3A_409 = arith.cmpi eq, %select_n3A_407, %eq3A_408 : i32
      %convert_element_type3A_410 = arith.extui %eq3A_409 : i1 to i32
      %cond3A_411 = arith.constant 0 : i32
      %cond3A_412 = arith.cmpi ne, %convert_element_type3A_410, %cond3A_411 : i32
      scf.if %cond3A_412 {
        %dma_wait3A_435 = arith.constant 0 : i32
        %dma_wait3A_436 = tpu.memref_slice %arg6[%scan3A_333, %dma_wait3A_435] : memref<157x128xi32, #tpu.memory_space<vmem>> -> memref<1x128xi32, #tpu.memory_space<vmem>>
        %dma_wait3A_437 = tpu.memref_squeeze %dma_wait3A_436 : memref<1x128xi32, #tpu.memory_space<vmem>> -> memref<128xi32, #tpu.memory_space<vmem>>
        %dma_wait3A_438 = arith.constant 0 : i32
        %dma_wait3A_439 = arith.constant 0 : i32
        %dma_wait3A_440 = tpu.memref_slice %arg2[%dma_wait3A_438, %dma_wait3A_439] : memref<20000x64xf32, #tpu.memory_space<hbm>> -> memref<20000x64xf32, #tpu.memory_space<hbm>>
        tpu.wait_indirect_dma semaphore(%arg18 : memref<!tpu.dma_semaphore, #tpu.memory_space<semaphore_mem>>) src(%dma_wait3A_440 : memref<20000x64xf32, #tpu.memory_space<hbm>>) dst(%arg11 : memref<128x64xf32, #tpu.memory_space<vmem>>)
        %dma_start3A_441 = arith.constant 0 : i32
        %dma_start3A_442 = tpu.memref_slice %arg7[%scan3A_333, %dma_start3A_441] : memref<157x128xi32, #tpu.memory_space<vmem>> -> memref<1x128xi32, #tpu.memory_space<vmem>>
        %dma_start3A_443 = tpu.memref_squeeze %dma_start3A_442 : memref<1x128xi32, #tpu.memory_space<vmem>> -> memref<128xi32, #tpu.memory_space<vmem>>
        %dma_start3A_444 = arith.constant 0 : i32
        %dma_start3A_445 = arith.constant 0 : i32
        %dma_start3A_446 = tpu.memref_slice %arg14[%dma_start3A_444, %dma_start3A_445] : memref<10008x64xf32, #tpu.memory_space<vmem_shared>> -> memref<10008x64xf32, #tpu.memory_space<vmem_shared>>
        tpu.enqueue_indirect_dma source(%arg11 : memref<128x64xf32, #tpu.memory_space<vmem>>) target(%dma_start3A_446 : memref<10008x64xf32, #tpu.memory_space<vmem_shared>>) offsets(%dma_start3A_443 : memref<128xi32, #tpu.memory_space<vmem>>) semaphore(%arg23 : memref<!tpu.dma_semaphore, #tpu.memory_space<semaphore_mem>>) {add = true}
        %add3A_447 = arith.constant 5 : i32
        %add3A_448 = arith.addi %scan3A_333, %add3A_447 : i32
        %sub3A = arith.constant 1 : i32
        %sub3A_449 = arith.subi %add3A_448, %sub3A : i32
        %lt3A_450 = arith.constant 157 : i32
        %lt3A_451 = arith.cmpi slt, %sub3A_449, %lt3A_450 : i32
        %convert_element_type3A_452 = arith.extui %lt3A_451 : i1 to i32
        %cond3A_453 = arith.constant 0 : i32
        %cond3A_454 = arith.cmpi ne, %convert_element_type3A_452, %cond3A_453 : i32
        scf.if %cond3A_454 {
          %ge3A = arith.constant 1 : i32
          %ge3A_455 = arith.cmpi sge, %scan3A_333, %ge3A : i32
          %convert_element_type3A_456 = arith.extui %ge3A_455 : i1 to i32
          %cond3A_457 = arith.constant 0 : i32
          %cond3A_458 = arith.cmpi ne, %convert_element_type3A_456, %cond3A_457 : i32
          scf.if %cond3A_458 {
            %sub3A_469 = arith.constant 1 : i32
            %sub3A_470 = arith.subi %scan3A_333, %sub3A_469 : i32
            %dma_wait3A_471 = arith.constant 0 : i32
            %dma_wait3A_472 = tpu.memref_slice %arg7[%sub3A_470, %dma_wait3A_471] : memref<157x128xi32, #tpu.memory_space<vmem>> -> memref<1x128xi32, #tpu.memory_space<vmem>>
            %dma_wait3A_473 = tpu.memref_squeeze %dma_wait3A_472 : memref<1x128xi32, #tpu.memory_space<vmem>> -> memref<128xi32, #tpu.memory_space<vmem>>
            %dma_wait3A_474 = arith.constant 0 : i32
            %dma_wait3A_475 = arith.constant 0 : i32
            %dma_wait3A_476 = tpu.memref_slice %arg14[%dma_wait3A_474, %dma_wait3A_475] : memref<10008x64xf32, #tpu.memory_space<vmem_shared>> -> memref<10008x64xf32, #tpu.memory_space<vmem_shared>>
            tpu.wait_indirect_dma semaphore(%arg22 : memref<!tpu.dma_semaphore, #tpu.memory_space<semaphore_mem>>) src(%arg10 : memref<128x64xf32, #tpu.memory_space<vmem>>) dst(%dma_wait3A_476 : memref<10008x64xf32, #tpu.memory_space<vmem_shared>>)
          } else {
          }
          %add3A_459 = arith.constant 5 : i32
          %add3A_460 = arith.addi %scan3A_333, %add3A_459 : i32
          %sub3A_461 = arith.constant 1 : i32
          %sub3A_462 = arith.subi %add3A_460, %sub3A_461 : i32
          %dma_start3A_463 = arith.constant 0 : i32
          %dma_start3A_464 = tpu.memref_slice %arg6[%sub3A_462, %dma_start3A_463] : memref<157x128xi32, #tpu.memory_space<vmem>> -> memref<1x128xi32, #tpu.memory_space<vmem>>
          %dma_start3A_465 = tpu.memref_squeeze %dma_start3A_464 : memref<1x128xi32, #tpu.memory_space<vmem>> -> memref<128xi32, #tpu.memory_space<vmem>>
          %dma_start3A_466 = arith.constant 0 : i32
          %dma_start3A_467 = arith.constant 0 : i32
          %dma_start3A_468 = tpu.memref_slice %arg2[%dma_start3A_466, %dma_start3A_467] : memref<20000x64xf32, #tpu.memory_space<hbm>> -> memref<20000x64xf32, #tpu.memory_space<hbm>>
          tpu.enqueue_indirect_dma source(%dma_start3A_468 : memref<20000x64xf32, #tpu.memory_space<hbm>>) target(%arg10 : memref<128x64xf32, #tpu.memory_space<vmem>>) offsets(%dma_start3A_465 : memref<128xi32, #tpu.memory_space<vmem>>) semaphore(%arg17 : memref<!tpu.dma_semaphore, #tpu.memory_space<semaphore_mem>>)
        } else {
        }
      } else {
      }
      %jit3A_413 = arith.constant 5 : i32
      %eq3A_414 = arith.constant 0 : i32
      %eq3A_415 = arith.cmpi eq, %jit3A_413, %eq3A_414 : i32
      %jit3A_416 = arith.constant 1 : i32
      %select_n3A_417 = arith.select %eq3A_415, %jit3A_416, %jit3A_413 : i32
      %rem3A_418 = arith.remsi %scan3A_333, %select_n3A_417 : i32
      %ne3A_419 = arith.constant 0 : i32
      %ne3A_420 = arith.cmpi ne, %rem3A_418, %ne3A_419 : i32
      %lt3A_421 = arith.constant 0 : i32
      %lt3A_422 = arith.cmpi slt, %rem3A_418, %lt3A_421 : i32
      %lt3A_423 = arith.constant 0 : i32
      %lt3A_424 = arith.cmpi slt, %select_n3A_417, %lt3A_423 : i32
      %ne3A_425 = arith.xori %lt3A_422, %lt3A_424 : i1
      %and3A_426 = arith.andi %ne3A_425, %ne3A_420 : i1
      %add3A_427 = arith.addi %rem3A_418, %select_n3A_417 : i32
      %select_n3A_428 = arith.select %and3A_426, %add3A_427, %rem3A_418 : i32
      %eq3A_429 = arith.constant 4 : i32
      %eq3A_430 = arith.cmpi eq, %select_n3A_428, %eq3A_429 : i32
      %convert_element_type3A_431 = arith.extui %eq3A_430 : i1 to i32
      %cond3A_432 = arith.constant 0 : i32
      %cond3A_433 = arith.cmpi ne, %convert_element_type3A_431, %cond3A_432 : i32
      scf.if %cond3A_433 {
        %dma_wait3A_435 = arith.constant 0 : i32
        %dma_wait3A_436 = tpu.memref_slice %arg6[%scan3A_333, %dma_wait3A_435] : memref<157x128xi32, #tpu.memory_space<vmem>> -> memref<1x128xi32, #tpu.memory_space<vmem>>
        %dma_wait3A_437 = tpu.memref_squeeze %dma_wait3A_436 : memref<1x128xi32, #tpu.memory_space<vmem>> -> memref<128xi32, #tpu.memory_space<vmem>>
        %dma_wait3A_438 = arith.constant 0 : i32
        %dma_wait3A_439 = arith.constant 0 : i32
        %dma_wait3A_440 = tpu.memref_slice %arg2[%dma_wait3A_438, %dma_wait3A_439] : memref<20000x64xf32, #tpu.memory_space<hbm>> -> memref<20000x64xf32, #tpu.memory_space<hbm>>
        tpu.wait_indirect_dma semaphore(%arg19 : memref<!tpu.dma_semaphore, #tpu.memory_space<semaphore_mem>>) src(%dma_wait3A_440 : memref<20000x64xf32, #tpu.memory_space<hbm>>) dst(%arg12 : memref<128x64xf32, #tpu.memory_space<vmem>>)
        %dma_start3A_441 = arith.constant 0 : i32
        %dma_start3A_442 = tpu.memref_slice %arg7[%scan3A_333, %dma_start3A_441] : memref<157x128xi32, #tpu.memory_space<vmem>> -> memref<1x128xi32, #tpu.memory_space<vmem>>
        %dma_start3A_443 = tpu.memref_squeeze %dma_start3A_442 : memref<1x128xi32, #tpu.memory_space<vmem>> -> memref<128xi32, #tpu.memory_space<vmem>>
        %dma_start3A_444 = arith.constant 0 : i32
        %dma_start3A_445 = arith.constant 0 : i32
        %dma_start3A_446 = tpu.memref_slice %arg14[%dma_start3A_444, %dma_start3A_445] : memref<10008x64xf32, #tpu.memory_space<vmem_shared>> -> memref<10008x64xf32, #tpu.memory_space<vmem_shared>>
        tpu.enqueue_indirect_dma source(%arg12 : memref<128x64xf32, #tpu.memory_space<vmem>>) target(%dma_start3A_446 : memref<10008x64xf32, #tpu.memory_space<vmem_shared>>) offsets(%dma_start3A_443 : memref<128xi32, #tpu.memory_space<vmem>>) semaphore(%arg24 : memref<!tpu.dma_semaphore, #tpu.memory_space<semaphore_mem>>) {add = true}
        %add3A_447 = arith.constant 5 : i32
        %add3A_448 = arith.addi %scan3A_333, %add3A_447 : i32
        %sub3A = arith.constant 1 : i32
        %sub3A_449 = arith.subi %add3A_448, %sub3A : i32
        %lt3A_450 = arith.constant 157 : i32
        %lt3A_451 = arith.cmpi slt, %sub3A_449, %lt3A_450 : i32
        %convert_element_type3A_452 = arith.extui %lt3A_451 : i1 to i32
        %cond3A_453 = arith.constant 0 : i32
        %cond3A_454 = arith.cmpi ne, %convert_element_type3A_452, %cond3A_453 : i32
        scf.if %cond3A_454 {
          %ge3A = arith.constant 1 : i32
          %ge3A_455 = arith.cmpi sge, %scan3A_333, %ge3A : i32
          %convert_element_type3A_456 = arith.extui %ge3A_455 : i1 to i32
          %cond3A_457 = arith.constant 0 : i32
          %cond3A_458 = arith.cmpi ne, %convert_element_type3A_456, %cond3A_457 : i32
          scf.if %cond3A_458 {
            %sub3A_469 = arith.constant 1 : i32
            %sub3A_470 = arith.subi %scan3A_333, %sub3A_469 : i32
            %dma_wait3A_471 = arith.constant 0 : i32
            %dma_wait3A_472 = tpu.memref_slice %arg7[%sub3A_470, %dma_wait3A_471] : memref<157x128xi32, #tpu.memory_space<vmem>> -> memref<1x128xi32, #tpu.memory_space<vmem>>
            %dma_wait3A_473 = tpu.memref_squeeze %dma_wait3A_472 : memref<1x128xi32, #tpu.memory_space<vmem>> -> memref<128xi32, #tpu.memory_space<vmem>>
            %dma_wait3A_474 = arith.constant 0 : i32
            %dma_wait3A_475 = arith.constant 0 : i32
            %dma_wait3A_476 = tpu.memref_slice %arg14[%dma_wait3A_474, %dma_wait3A_475] : memref<10008x64xf32, #tpu.memory_space<vmem_shared>> -> memref<10008x64xf32, #tpu.memory_space<vmem_shared>>
            tpu.wait_indirect_dma semaphore(%arg23 : memref<!tpu.dma_semaphore, #tpu.memory_space<semaphore_mem>>) src(%arg11 : memref<128x64xf32, #tpu.memory_space<vmem>>) dst(%dma_wait3A_476 : memref<10008x64xf32, #tpu.memory_space<vmem_shared>>)
          } else {
          }
          %add3A_459 = arith.constant 5 : i32
          %add3A_460 = arith.addi %scan3A_333, %add3A_459 : i32
          %sub3A_461 = arith.constant 1 : i32
          %sub3A_462 = arith.subi %add3A_460, %sub3A_461 : i32
          %dma_start3A_463 = arith.constant 0 : i32
          %dma_start3A_464 = tpu.memref_slice %arg6[%sub3A_462, %dma_start3A_463] : memref<157x128xi32, #tpu.memory_space<vmem>> -> memref<1x128xi32, #tpu.memory_space<vmem>>
          %dma_start3A_465 = tpu.memref_squeeze %dma_start3A_464 : memref<1x128xi32, #tpu.memory_space<vmem>> -> memref<128xi32, #tpu.memory_space<vmem>>
          %dma_start3A_466 = arith.constant 0 : i32
          %dma_start3A_467 = arith.constant 0 : i32
          %dma_start3A_468 = tpu.memref_slice %arg2[%dma_start3A_466, %dma_start3A_467] : memref<20000x64xf32, #tpu.memory_space<hbm>> -> memref<20000x64xf32, #tpu.memory_space<hbm>>
          tpu.enqueue_indirect_dma source(%dma_start3A_468 : memref<20000x64xf32, #tpu.memory_space<hbm>>) target(%arg11 : memref<128x64xf32, #tpu.memory_space<vmem>>) offsets(%dma_start3A_465 : memref<128xi32, #tpu.memory_space<vmem>>) semaphore(%arg18 : memref<!tpu.dma_semaphore, #tpu.memory_space<semaphore_mem>>)
        } else {
        }
      } else {
      }
      %scan3A_434 = arith.constant 0 : i32
      scf.yield %scan3A_434 : i32
    }
    %scan3A_147 = arith.constant 157 : i32
    %dma_wait3A_148 = arith.constant 152 : i32
    %dma_wait3A_149 = arith.constant 0 : i32
    %dma_wait3A_150 = tpu.memref_slice %arg7[%dma_wait3A_148, %dma_wait3A_149] : memref<157x128xi32, #tpu.memory_space<vmem>> -> memref<1x128xi32, #tpu.memory_space<vmem>>
    %dma_wait3A_151 = tpu.memref_squeeze %dma_wait3A_150 : memref<1x128xi32, #tpu.memory_space<vmem>> -> memref<128xi32, #tpu.memory_space<vmem>>
    %dma_wait3A_152 = arith.constant 0 : i32
    %dma_wait3A_153 = arith.constant 0 : i32
    %dma_wait3A_154 = tpu.memref_slice %arg14[%dma_wait3A_152, %dma_wait3A_153] : memref<10008x64xf32, #tpu.memory_space<vmem_shared>> -> memref<10008x64xf32, #tpu.memory_space<vmem_shared>>
    tpu.wait_indirect_dma semaphore(%arg22 : memref<!tpu.dma_semaphore, #tpu.memory_space<semaphore_mem>>) src(%arg10 : memref<128x64xf32, #tpu.memory_space<vmem>>) dst(%dma_wait3A_154 : memref<10008x64xf32, #tpu.memory_space<vmem_shared>>)
    %dma_wait3A_155 = arith.constant 153 : i32
    %dma_wait3A_156 = arith.constant 0 : i32
    %dma_wait3A_157 = tpu.memref_slice %arg7[%dma_wait3A_155, %dma_wait3A_156] : memref<157x128xi32, #tpu.memory_space<vmem>> -> memref<1x128xi32, #tpu.memory_space<vmem>>
    %dma_wait3A_158 = tpu.memref_squeeze %dma_wait3A_157 : memref<1x128xi32, #tpu.memory_space<vmem>> -> memref<128xi32, #tpu.memory_space<vmem>>
    %dma_wait3A_159 = arith.constant 0 : i32
    %dma_wait3A_160 = arith.constant 0 : i32
    %dma_wait3A_161 = tpu.memref_slice %arg14[%dma_wait3A_159, %dma_wait3A_160] : memref<10008x64xf32, #tpu.memory_space<vmem_shared>> -> memref<10008x64xf32, #tpu.memory_space<vmem_shared>>
    tpu.wait_indirect_dma semaphore(%arg23 : memref<!tpu.dma_semaphore, #tpu.memory_space<semaphore_mem>>) src(%arg11 : memref<128x64xf32, #tpu.memory_space<vmem>>) dst(%dma_wait3A_161 : memref<10008x64xf32, #tpu.memory_space<vmem_shared>>)
    %dma_wait3A_162 = arith.constant 154 : i32
    %dma_wait3A_163 = arith.constant 0 : i32
    %dma_wait3A_164 = tpu.memref_slice %arg7[%dma_wait3A_162, %dma_wait3A_163] : memref<157x128xi32, #tpu.memory_space<vmem>> -> memref<1x128xi32, #tpu.memory_space<vmem>>
    %dma_wait3A_165 = tpu.memref_squeeze %dma_wait3A_164 : memref<1x128xi32, #tpu.memory_space<vmem>> -> memref<128xi32, #tpu.memory_space<vmem>>
    %dma_wait3A_166 = arith.constant 0 : i32
    %dma_wait3A_167 = arith.constant 0 : i32
    %dma_wait3A_168 = tpu.memref_slice %arg14[%dma_wait3A_166, %dma_wait3A_167] : memref<10008x64xf32, #tpu.memory_space<vmem_shared>> -> memref<10008x64xf32, #tpu.memory_space<vmem_shared>>
    tpu.wait_indirect_dma semaphore(%arg24 : memref<!tpu.dma_semaphore, #tpu.memory_space<semaphore_mem>>) src(%arg12 : memref<128x64xf32, #tpu.memory_space<vmem>>) dst(%dma_wait3A_168 : memref<10008x64xf32, #tpu.memory_space<vmem_shared>>)
    %dma_wait3A_169 = arith.constant 155 : i32
    %dma_wait3A_170 = arith.constant 0 : i32
    %dma_wait3A_171 = tpu.memref_slice %arg7[%dma_wait3A_169, %dma_wait3A_170] : memref<157x128xi32, #tpu.memory_space<vmem>> -> memref<1x128xi32, #tpu.memory_space<vmem>>
    %dma_wait3A_172 = tpu.memref_squeeze %dma_wait3A_171 : memref<1x128xi32, #tpu.memory_space<vmem>> -> memref<128xi32, #tpu.memory_space<vmem>>
    %dma_wait3A_173 = arith.constant 0 : i32
    %dma_wait3A_174 = arith.constant 0 : i32
    %dma_wait3A_175 = tpu.memref_slice %arg14[%dma_wait3A_173, %dma_wait3A_174] : memref<10008x64xf32, #tpu.memory_space<vmem_shared>> -> memref<10008x64xf32, #tpu.memory_space<vmem_shared>>
    tpu.wait_indirect_dma semaphore(%arg20 : memref<!tpu.dma_semaphore, #tpu.memory_space<semaphore_mem>>) src(%arg8 : memref<128x64xf32, #tpu.memory_space<vmem>>) dst(%dma_wait3A_175 : memref<10008x64xf32, #tpu.memory_space<vmem_shared>>)
    %dma_wait3A_176 = arith.constant 156 : i32
    %dma_wait3A_177 = arith.constant 0 : i32
    %dma_wait3A_178 = tpu.memref_slice %arg7[%dma_wait3A_176, %dma_wait3A_177] : memref<157x128xi32, #tpu.memory_space<vmem>> -> memref<1x128xi32, #tpu.memory_space<vmem>>
    %dma_wait3A_179 = tpu.memref_squeeze %dma_wait3A_178 : memref<1x128xi32, #tpu.memory_space<vmem>> -> memref<128xi32, #tpu.memory_space<vmem>>
    %dma_wait3A_180 = arith.constant 0 : i32
    %dma_wait3A_181 = arith.constant 0 : i32
    %dma_wait3A_182 = tpu.memref_slice %arg14[%dma_wait3A_180, %dma_wait3A_181] : memref<10008x64xf32, #tpu.memory_space<vmem_shared>> -> memref<10008x64xf32, #tpu.memory_space<vmem_shared>>
    tpu.wait_indirect_dma semaphore(%arg21 : memref<!tpu.dma_semaphore, #tpu.memory_space<semaphore_mem>>) src(%arg9 : memref<128x64xf32, #tpu.memory_space<vmem>>) dst(%dma_wait3A_182 : memref<10008x64xf32, #tpu.memory_space<vmem_shared>>)
    %barrier3A_183 = arith.constant 0 : index
    tpu.barrier barrier_id(%barrier3A_183)
    %add3A_184 = arith.constant 0 : i32
    %add3A_185 = arith.addi %mul3A_2, %add3A_184 : i32
    "tpu.region"() ({
      %run_scoped3A = tpu.sem_alloc : memref<!tpu.dma_semaphore, #tpu.memory_space<semaphore_mem>>
      %dma_start3A_333 = arith.constant 0 : i32
      %dma_start3A_334 = tpu.memref_slice %arg14[%add3A_185, %dma_start3A_333] : memref<10008x64xf32, #tpu.memory_space<vmem_shared>> -> memref<104x64xf32, #tpu.memory_space<vmem_shared>>
      %dma_start3A_335 = arith.constant 0 : i32
      %dma_start3A_336 = tpu.memref_slice %arg14[%add3A_185, %dma_start3A_335] : memref<10008x64xf32, #tpu.memory_space<vmem_shared>> -> memref<104x64xf32, #tpu.memory_space<vmem_shared>>
      tpu.enqueue_dma source(%dma_start3A_336 : memref<104x64xf32, #tpu.memory_space<vmem_shared>>) target(%arg13 : memref<104x64xf32, #tpu.memory_space<vmem>>) target_semaphore(%run_scoped3A : memref<!tpu.dma_semaphore, #tpu.memory_space<semaphore_mem>>)
      %dma_wait3A_337 = arith.constant 0 : i32
      %dma_wait3A_338 = tpu.memref_slice %arg14[%add3A_185, %dma_wait3A_337] : memref<10008x64xf32, #tpu.memory_space<vmem_shared>> -> memref<104x64xf32, #tpu.memory_space<vmem_shared>>
      %dma_wait3A_339 = arith.constant 0 : i32
      %dma_wait3A_340 = tpu.memref_slice %arg14[%add3A_185, %dma_wait3A_339] : memref<10008x64xf32, #tpu.memory_space<vmem_shared>> -> memref<104x64xf32, #tpu.memory_space<vmem_shared>>
      tpu.wait_dma2 semaphore(%run_scoped3A : memref<!tpu.dma_semaphore, #tpu.memory_space<semaphore_mem>>) src(%dma_wait3A_340 : memref<104x64xf32, #tpu.memory_space<vmem_shared>>) dst(%arg13 : memref<104x64xf32, #tpu.memory_space<vmem>>)
      tpu.yield
    }) : () -> ()
    %add3A_186 = arith.constant 0 : i32
    %add3A_187 = arith.addi %mul3A_2, %add3A_186 : i32
    %dma_start3A_188 = arith.constant 0 : i32
    %dma_start3A_189 = tpu.memref_slice %arg5[%arg0, %add3A_187, %dma_start3A_188] : memref<2x10000x64xf32, #tpu.memory_space<hbm>> -> memref<1x104x64xf32, #tpu.memory_space<hbm>>
    %dma_start3A_190 = tpu.memref_squeeze %dma_start3A_189 : memref<1x104x64xf32, #tpu.memory_space<hbm>> -> memref<104x64xf32, #tpu.memory_space<hbm>>
    %dma_start3A_191 = arith.constant 0 : i32
    %dma_start3A_192 = tpu.memref_slice %arg5[%arg0, %add3A_187, %dma_start3A_191] : memref<2x10000x64xf32, #tpu.memory_space<hbm>> -> memref<1x104x64xf32, #tpu.memory_space<hbm>>
    %dma_start3A_193 = tpu.memref_squeeze %dma_start3A_192 : memref<1x104x64xf32, #tpu.memory_space<hbm>> -> memref<104x64xf32, #tpu.memory_space<hbm>>
    tpu.enqueue_dma source(%arg13 : memref<104x64xf32, #tpu.memory_space<vmem>>) target(%dma_start3A_193 : memref<104x64xf32, #tpu.memory_space<hbm>>) target_semaphore(%arg21 : memref<!tpu.dma_semaphore, #tpu.memory_space<semaphore_mem>>)
    %add3A_194 = arith.constant 104 : i32
    %add3A_195 = arith.addi %mul3A_2, %add3A_194 : i32
    "tpu.region"() ({
      %run_scoped3A = tpu.sem_alloc : memref<!tpu.dma_semaphore, #tpu.memory_space<semaphore_mem>>
      %dma_start3A_333 = arith.constant 0 : i32
      %dma_start3A_334 = arith.constant 0 : i32
      %dma_start3A_335 = tpu.memref_slice %arg8[%dma_start3A_333, %dma_start3A_334] : memref<128x64xf32, #tpu.memory_space<vmem>> -> memref<104x64xf32, #tpu.memory_space<vmem>>
      %dma_start3A_336 = arith.constant 0 : i32
      %dma_start3A_337 = tpu.memref_slice %arg14[%add3A_195, %dma_start3A_336] : memref<10008x64xf32, #tpu.memory_space<vmem_shared>> -> memref<104x64xf32, #tpu.memory_space<vmem_shared>>
      %dma_start3A_338 = arith.constant 0 : i32
      %dma_start3A_339 = arith.constant 0 : i32
      %dma_start3A_340 = tpu.memref_slice %arg8[%dma_start3A_338, %dma_start3A_339] : memref<128x64xf32, #tpu.memory_space<vmem>> -> memref<104x64xf32, #tpu.memory_space<vmem>>
      %dma_start3A_341 = arith.constant 0 : i32
      %dma_start3A_342 = tpu.memref_slice %arg14[%add3A_195, %dma_start3A_341] : memref<10008x64xf32, #tpu.memory_space<vmem_shared>> -> memref<104x64xf32, #tpu.memory_space<vmem_shared>>
      tpu.enqueue_dma source(%dma_start3A_342 : memref<104x64xf32, #tpu.memory_space<vmem_shared>>) target(%dma_start3A_340 : memref<104x64xf32, #tpu.memory_space<vmem>>) target_semaphore(%run_scoped3A : memref<!tpu.dma_semaphore, #tpu.memory_space<semaphore_mem>>)
      %dma_wait3A_343 = arith.constant 0 : i32
      %dma_wait3A_344 = arith.constant 0 : i32
      %dma_wait3A_345 = tpu.memref_slice %arg8[%dma_wait3A_343, %dma_wait3A_344] : memref<128x64xf32, #tpu.memory_space<vmem>> -> memref<104x64xf32, #tpu.memory_space<vmem>>
      %dma_wait3A_346 = arith.constant 0 : i32
      %dma_wait3A_347 = tpu.memref_slice %arg14[%add3A_195, %dma_wait3A_346] : memref<10008x64xf32, #tpu.memory_space<vmem_shared>> -> memref<104x64xf32, #tpu.memory_space<vmem_shared>>
      %dma_wait3A_348 = arith.constant 0 : i32
      %dma_wait3A_349 = arith.constant 0 : i32
      %dma_wait3A_350 = tpu.memref_slice %arg8[%dma_wait3A_348, %dma_wait3A_349] : memref<128x64xf32, #tpu.memory_space<vmem>> -> memref<104x64xf32, #tpu.memory_space<vmem>>
      %dma_wait3A_351 = arith.constant 0 : i32
      %dma_wait3A_352 = tpu.memref_slice %arg14[%add3A_195, %dma_wait3A_351] : memref<10008x64xf32, #tpu.memory_space<vmem_shared>> -> memref<104x64xf32, #tpu.memory_space<vmem_shared>>
      tpu.wait_dma2 semaphore(%run_scoped3A : memref<!tpu.dma_semaphore, #tpu.memory_space<semaphore_mem>>) src(%dma_wait3A_352 : memref<104x64xf32, #tpu.memory_space<vmem_shared>>) dst(%dma_wait3A_350 : memref<104x64xf32, #tpu.memory_space<vmem>>)
      tpu.yield
    }) : () -> ()
    %add3A_196 = arith.constant 104 : i32
    %add3A_197 = arith.addi %mul3A_2, %add3A_196 : i32
    %dma_start3A_198 = arith.constant 0 : i32
    %dma_start3A_199 = arith.constant 0 : i32
    %dma_start3A_200 = tpu.memref_slice %arg8[%dma_start3A_198, %dma_start3A_199] : memref<128x64xf32, #tpu.memory_space<vmem>> -> memref<104x64xf32, #tpu.memory_space<vmem>>
    %dma_start3A_201 = arith.constant 0 : i32
    %dma_start3A_202 = tpu.memref_slice %arg5[%arg0, %add3A_197, %dma_start3A_201] : memref<2x10000x64xf32, #tpu.memory_space<hbm>> -> memref<1x104x64xf32, #tpu.memory_space<hbm>>
    %dma_start3A_203 = tpu.memref_squeeze %dma_start3A_202 : memref<1x104x64xf32, #tpu.memory_space<hbm>> -> memref<104x64xf32, #tpu.memory_space<hbm>>
    %dma_start3A_204 = arith.constant 0 : i32
    %dma_start3A_205 = tpu.memref_slice %arg5[%arg0, %add3A_197, %dma_start3A_204] : memref<2x10000x64xf32, #tpu.memory_space<hbm>> -> memref<1x104x64xf32, #tpu.memory_space<hbm>>
    %dma_start3A_206 = tpu.memref_squeeze %dma_start3A_205 : memref<1x104x64xf32, #tpu.memory_space<hbm>> -> memref<104x64xf32, #tpu.memory_space<hbm>>
    %dma_start3A_207 = arith.constant 0 : i32
    %dma_start3A_208 = arith.constant 0 : i32
    %dma_start3A_209 = tpu.memref_slice %arg8[%dma_start3A_207, %dma_start3A_208] : memref<128x64xf32, #tpu.memory_space<vmem>> -> memref<104x64xf32, #tpu.memory_space<vmem>>
    tpu.enqueue_dma source(%dma_start3A_209 : memref<104x64xf32, #tpu.memory_space<vmem>>) target(%dma_start3A_206 : memref<104x64xf32, #tpu.memory_space<hbm>>) target_semaphore(%arg22 : memref<!tpu.dma_semaphore, #tpu.memory_space<semaphore_mem>>)
    %add3A_210 = arith.constant 0 : i32
    %add3A_211 = arith.addi %mul3A_2, %add3A_210 : i32
    %dma_wait3A_212 = arith.constant 0 : i32
    %dma_wait3A_213 = tpu.memref_slice %arg5[%arg0, %add3A_211, %dma_wait3A_212] : memref<2x10000x64xf32, #tpu.memory_space<hbm>> -> memref<1x104x64xf32, #tpu.memory_space<hbm>>
    %dma_wait3A_214 = tpu.memref_squeeze %dma_wait3A_213 : memref<1x104x64xf32, #tpu.memory_space<hbm>> -> memref<104x64xf32, #tpu.memory_space<hbm>>
    %dma_wait3A_215 = arith.constant 0 : i32
    %dma_wait3A_216 = tpu.memref_slice %arg5[%arg0, %add3A_211, %dma_wait3A_215] : memref<2x10000x64xf32, #tpu.memory_space<hbm>> -> memref<1x104x64xf32, #tpu.memory_space<hbm>>
    %dma_wait3A_217 = tpu.memref_squeeze %dma_wait3A_216 : memref<1x104x64xf32, #tpu.memory_space<hbm>> -> memref<104x64xf32, #tpu.memory_space<hbm>>
    tpu.wait_dma2 semaphore(%arg21 : memref<!tpu.dma_semaphore, #tpu.memory_space<semaphore_mem>>) src(%arg13 : memref<104x64xf32, #tpu.memory_space<vmem>>) dst(%dma_wait3A_217 : memref<104x64xf32, #tpu.memory_space<hbm>>)
    %add3A_218 = arith.constant 208 : i32
    %add3A_219 = arith.addi %mul3A_2, %add3A_218 : i32
    "tpu.region"() ({
      %run_scoped3A = tpu.sem_alloc : memref<!tpu.dma_semaphore, #tpu.memory_space<semaphore_mem>>
      %dma_start3A_333 = arith.constant 0 : i32
      %dma_start3A_334 = tpu.memref_slice %arg14[%add3A_219, %dma_start3A_333] : memref<10008x64xf32, #tpu.memory_space<vmem_shared>> -> memref<104x64xf32, #tpu.memory_space<vmem_shared>>
      %dma_start3A_335 = arith.constant 0 : i32
      %dma_start3A_336 = tpu.memref_slice %arg14[%add3A_219, %dma_start3A_335] : memref<10008x64xf32, #tpu.memory_space<vmem_shared>> -> memref<104x64xf32, #tpu.memory_space<vmem_shared>>
      tpu.enqueue_dma source(%dma_start3A_336 : memref<104x64xf32, #tpu.memory_space<vmem_shared>>) target(%arg13 : memref<104x64xf32, #tpu.memory_space<vmem>>) target_semaphore(%run_scoped3A : memref<!tpu.dma_semaphore, #tpu.memory_space<semaphore_mem>>)
      %dma_wait3A_337 = arith.constant 0 : i32
      %dma_wait3A_338 = tpu.memref_slice %arg14[%add3A_219, %dma_wait3A_337] : memref<10008x64xf32, #tpu.memory_space<vmem_shared>> -> memref<104x64xf32, #tpu.memory_space<vmem_shared>>
      %dma_wait3A_339 = arith.constant 0 : i32
      %dma_wait3A_340 = tpu.memref_slice %arg14[%add3A_219, %dma_wait3A_339] : memref<10008x64xf32, #tpu.memory_space<vmem_shared>> -> memref<104x64xf32, #tpu.memory_space<vmem_shared>>
      tpu.wait_dma2 semaphore(%run_scoped3A : memref<!tpu.dma_semaphore, #tpu.memory_space<semaphore_mem>>) src(%dma_wait3A_340 : memref<104x64xf32, #tpu.memory_space<vmem_shared>>) dst(%arg13 : memref<104x64xf32, #tpu.memory_space<vmem>>)
      tpu.yield
    }) : () -> ()
    %add3A_220 = arith.constant 208 : i32
    %add3A_221 = arith.addi %mul3A_2, %add3A_220 : i32
    %dma_start3A_222 = arith.constant 0 : i32
    %dma_start3A_223 = tpu.memref_slice %arg5[%arg0, %add3A_221, %dma_start3A_222] : memref<2x10000x64xf32, #tpu.memory_space<hbm>> -> memref<1x104x64xf32, #tpu.memory_space<hbm>>
    %dma_start3A_224 = tpu.memref_squeeze %dma_start3A_223 : memref<1x104x64xf32, #tpu.memory_space<hbm>> -> memref<104x64xf32, #tpu.memory_space<hbm>>
    %dma_start3A_225 = arith.constant 0 : i32
    %dma_start3A_226 = tpu.memref_slice %arg5[%arg0, %add3A_221, %dma_start3A_225] : memref<2x10000x64xf32, #tpu.memory_space<hbm>> -> memref<1x104x64xf32, #tpu.memory_space<hbm>>
    %dma_start3A_227 = tpu.memref_squeeze %dma_start3A_226 : memref<1x104x64xf32, #tpu.memory_space<hbm>> -> memref<104x64xf32, #tpu.memory_space<hbm>>
    tpu.enqueue_dma source(%arg13 : memref<104x64xf32, #tpu.memory_space<vmem>>) target(%dma_start3A_227 : memref<104x64xf32, #tpu.memory_space<hbm>>) target_semaphore(%arg21 : memref<!tpu.dma_semaphore, #tpu.memory_space<semaphore_mem>>)
    %add3A_228 = arith.constant 104 : i32
    %add3A_229 = arith.addi %mul3A_2, %add3A_228 : i32
    %dma_wait3A_230 = arith.constant 0 : i32
    %dma_wait3A_231 = arith.constant 0 : i32
    %dma_wait3A_232 = tpu.memref_slice %arg8[%dma_wait3A_230, %dma_wait3A_231] : memref<128x64xf32, #tpu.memory_space<vmem>> -> memref<104x64xf32, #tpu.memory_space<vmem>>
    %dma_wait3A_233 = arith.constant 0 : i32
    %dma_wait3A_234 = tpu.memref_slice %arg5[%arg0, %add3A_229, %dma_wait3A_233] : memref<2x10000x64xf32, #tpu.memory_space<hbm>> -> memref<1x104x64xf32, #tpu.memory_space<hbm>>
    %dma_wait3A_235 = tpu.memref_squeeze %dma_wait3A_234 : memref<1x104x64xf32, #tpu.memory_space<hbm>> -> memref<104x64xf32, #tpu.memory_space<hbm>>
    %dma_wait3A_236 = arith.constant 0 : i32
    %dma_wait3A_237 = tpu.memref_slice %arg5[%arg0, %add3A_229, %dma_wait3A_236] : memref<2x10000x64xf32, #tpu.memory_space<hbm>> -> memref<1x104x64xf32, #tpu.memory_space<hbm>>
    %dma_wait3A_238 = tpu.memref_squeeze %dma_wait3A_237 : memref<1x104x64xf32, #tpu.memory_space<hbm>> -> memref<104x64xf32, #tpu.memory_space<hbm>>
    %dma_wait3A_239 = arith.constant 0 : i32
    %dma_wait3A_240 = arith.constant 0 : i32
    %dma_wait3A_241 = tpu.memref_slice %arg8[%dma_wait3A_239, %dma_wait3A_240] : memref<128x64xf32, #tpu.memory_space<vmem>> -> memref<104x64xf32, #tpu.memory_space<vmem>>
    tpu.wait_dma2 semaphore(%arg22 : memref<!tpu.dma_semaphore, #tpu.memory_space<semaphore_mem>>) src(%dma_wait3A_241 : memref<104x64xf32, #tpu.memory_space<vmem>>) dst(%dma_wait3A_238 : memref<104x64xf32, #tpu.memory_space<hbm>>)
    %add3A_242 = arith.constant 312 : i32
    %add3A_243 = arith.addi %mul3A_2, %add3A_242 : i32
    "tpu.region"() ({
      %run_scoped3A = tpu.sem_alloc : memref<!tpu.dma_semaphore, #tpu.memory_space<semaphore_mem>>
      %dma_start3A_333 = arith.constant 0 : i32
      %dma_start3A_334 = arith.constant 0 : i32
      %dma_start3A_335 = tpu.memref_slice %arg8[%dma_start3A_333, %dma_start3A_334] : memref<128x64xf32, #tpu.memory_space<vmem>> -> memref<104x64xf32, #tpu.memory_space<vmem>>
      %dma_start3A_336 = arith.constant 0 : i32
      %dma_start3A_337 = tpu.memref_slice %arg14[%add3A_243, %dma_start3A_336] : memref<10008x64xf32, #tpu.memory_space<vmem_shared>> -> memref<104x64xf32, #tpu.memory_space<vmem_shared>>
      %dma_start3A_338 = arith.constant 0 : i32
      %dma_start3A_339 = arith.constant 0 : i32
      %dma_start3A_340 = tpu.memref_slice %arg8[%dma_start3A_338, %dma_start3A_339] : memref<128x64xf32, #tpu.memory_space<vmem>> -> memref<104x64xf32, #tpu.memory_space<vmem>>
      %dma_start3A_341 = arith.constant 0 : i32
      %dma_start3A_342 = tpu.memref_slice %arg14[%add3A_243, %dma_start3A_341] : memref<10008x64xf32, #tpu.memory_space<vmem_shared>> -> memref<104x64xf32, #tpu.memory_space<vmem_shared>>
      tpu.enqueue_dma source(%dma_start3A_342 : memref<104x64xf32, #tpu.memory_space<vmem_shared>>) target(%dma_start3A_340 : memref<104x64xf32, #tpu.memory_space<vmem>>) target_semaphore(%run_scoped3A : memref<!tpu.dma_semaphore, #tpu.memory_space<semaphore_mem>>)
      %dma_wait3A_343 = arith.constant 0 : i32
      %dma_wait3A_344 = arith.constant 0 : i32
      %dma_wait3A_345 = tpu.memref_slice %arg8[%dma_wait3A_343, %dma_wait3A_344] : memref<128x64xf32, #tpu.memory_space<vmem>> -> memref<104x64xf32, #tpu.memory_space<vmem>>
      %dma_wait3A_346 = arith.constant 0 : i32
      %dma_wait3A_347 = tpu.memref_slice %arg14[%add3A_243, %dma_wait3A_346] : memref<10008x64xf32, #tpu.memory_space<vmem_shared>> -> memref<104x64xf32, #tpu.memory_space<vmem_shared>>
      %dma_wait3A_348 = arith.constant 0 : i32
      %dma_wait3A_349 = arith.constant 0 : i32
      %dma_wait3A_350 = tpu.memref_slice %arg8[%dma_wait3A_348, %dma_wait3A_349] : memref<128x64xf32, #tpu.memory_space<vmem>> -> memref<104x64xf32, #tpu.memory_space<vmem>>
      %dma_wait3A_351 = arith.constant 0 : i32
      %dma_wait3A_352 = tpu.memref_slice %arg14[%add3A_243, %dma_wait3A_351] : memref<10008x64xf32, #tpu.memory_space<vmem_shared>> -> memref<104x64xf32, #tpu.memory_space<vmem_shared>>
      tpu.wait_dma2 semaphore(%run_scoped3A : memref<!tpu.dma_semaphore, #tpu.memory_space<semaphore_mem>>) src(%dma_wait3A_352 : memref<104x64xf32, #tpu.memory_space<vmem_shared>>) dst(%dma_wait3A_350 : memref<104x64xf32, #tpu.memory_space<vmem>>)
      tpu.yield
    }) : () -> ()
    %add3A_244 = arith.constant 312 : i32
    %add3A_245 = arith.addi %mul3A_2, %add3A_244 : i32
    %dma_start3A_246 = arith.constant 0 : i32
    %dma_start3A_247 = arith.constant 0 : i32
    %dma_start3A_248 = tpu.memref_slice %arg8[%dma_start3A_246, %dma_start3A_247] : memref<128x64xf32, #tpu.memory_space<vmem>> -> memref<104x64xf32, #tpu.memory_space<vmem>>
    %dma_start3A_249 = arith.constant 0 : i32
    %dma_start3A_250 = tpu.memref_slice %arg5[%arg0, %add3A_245, %dma_start3A_249] : memref<2x10000x64xf32, #tpu.memory_space<hbm>> -> memref<1x104x64xf32, #tpu.memory_space<hbm>>
    %dma_start3A_251 = tpu.memref_squeeze %dma_start3A_250 : memref<1x104x64xf32, #tpu.memory_space<hbm>> -> memref<104x64xf32, #tpu.memory_space<hbm>>
    %dma_start3A_252 = arith.constant 0 : i32
    %dma_start3A_253 = tpu.memref_slice %arg5[%arg0, %add3A_245, %dma_start3A_252] : memref<2x10000x64xf32, #tpu.memory_space<hbm>> -> memref<1x104x64xf32, #tpu.memory_space<hbm>>
    %dma_start3A_254 = tpu.memref_squeeze %dma_start3A_253 : memref<1x104x64xf32, #tpu.memory_space<hbm>> -> memref<104x64xf32, #tpu.memory_space<hbm>>
    %dma_start3A_255 = arith.constant 0 : i32
    %dma_start3A_256 = arith.constant 0 : i32
    %dma_start3A_257 = tpu.memref_slice %arg8[%dma_start3A_255, %dma_start3A_256] : memref<128x64xf32, #tpu.memory_space<vmem>> -> memref<104x64xf32, #tpu.memory_space<vmem>>
    tpu.enqueue_dma source(%dma_start3A_257 : memref<104x64xf32, #tpu.memory_space<vmem>>) target(%dma_start3A_254 : memref<104x64xf32, #tpu.memory_space<hbm>>) target_semaphore(%arg22 : memref<!tpu.dma_semaphore, #tpu.memory_space<semaphore_mem>>)
    %add3A_258 = arith.constant 208 : i32
    %add3A_259 = arith.addi %mul3A_2, %add3A_258 : i32
    %dma_wait3A_260 = arith.constant 0 : i32
    %dma_wait3A_261 = tpu.memref_slice %arg5[%arg0, %add3A_259, %dma_wait3A_260] : memref<2x10000x64xf32, #tpu.memory_space<hbm>> -> memref<1x104x64xf32, #tpu.memory_space<hbm>>
    %dma_wait3A_262 = tpu.memref_squeeze %dma_wait3A_261 : memref<1x104x64xf32, #tpu.memory_space<hbm>> -> memref<104x64xf32, #tpu.memory_space<hbm>>
    %dma_wait3A_263 = arith.constant 0 : i32
    %dma_wait3A_264 = tpu.memref_slice %arg5[%arg0, %add3A_259, %dma_wait3A_263] : memref<2x10000x64xf32, #tpu.memory_space<hbm>> -> memref<1x104x64xf32, #tpu.memory_space<hbm>>
    %dma_wait3A_265 = tpu.memref_squeeze %dma_wait3A_264 : memref<1x104x64xf32, #tpu.memory_space<hbm>> -> memref<104x64xf32, #tpu.memory_space<hbm>>
    tpu.wait_dma2 semaphore(%arg21 : memref<!tpu.dma_semaphore, #tpu.memory_space<semaphore_mem>>) src(%arg13 : memref<104x64xf32, #tpu.memory_space<vmem>>) dst(%dma_wait3A_265 : memref<104x64xf32, #tpu.memory_space<hbm>>)
    %add3A_266 = arith.constant 416 : i32
    %add3A_267 = arith.addi %mul3A_2, %add3A_266 : i32
    "tpu.region"() ({
      %run_scoped3A = tpu.sem_alloc : memref<!tpu.dma_semaphore, #tpu.memory_space<semaphore_mem>>
      %dma_start3A_333 = arith.constant 0 : i32
      %dma_start3A_334 = tpu.memref_slice %arg14[%add3A_267, %dma_start3A_333] : memref<10008x64xf32, #tpu.memory_space<vmem_shared>> -> memref<104x64xf32, #tpu.memory_space<vmem_shared>>
      %dma_start3A_335 = arith.constant 0 : i32
      %dma_start3A_336 = tpu.memref_slice %arg14[%add3A_267, %dma_start3A_335] : memref<10008x64xf32, #tpu.memory_space<vmem_shared>> -> memref<104x64xf32, #tpu.memory_space<vmem_shared>>
      tpu.enqueue_dma source(%dma_start3A_336 : memref<104x64xf32, #tpu.memory_space<vmem_shared>>) target(%arg13 : memref<104x64xf32, #tpu.memory_space<vmem>>) target_semaphore(%run_scoped3A : memref<!tpu.dma_semaphore, #tpu.memory_space<semaphore_mem>>)
      %dma_wait3A_337 = arith.constant 0 : i32
      %dma_wait3A_338 = tpu.memref_slice %arg14[%add3A_267, %dma_wait3A_337] : memref<10008x64xf32, #tpu.memory_space<vmem_shared>> -> memref<104x64xf32, #tpu.memory_space<vmem_shared>>
      %dma_wait3A_339 = arith.constant 0 : i32
      %dma_wait3A_340 = tpu.memref_slice %arg14[%add3A_267, %dma_wait3A_339] : memref<10008x64xf32, #tpu.memory_space<vmem_shared>> -> memref<104x64xf32, #tpu.memory_space<vmem_shared>>
      tpu.wait_dma2 semaphore(%run_scoped3A : memref<!tpu.dma_semaphore, #tpu.memory_space<semaphore_mem>>) src(%dma_wait3A_340 : memref<104x64xf32, #tpu.memory_space<vmem_shared>>) dst(%arg13 : memref<104x64xf32, #tpu.memory_space<vmem>>)
      tpu.yield
    }) : () -> ()
    %add3A_268 = arith.constant 416 : i32
    %add3A_269 = arith.addi %mul3A_2, %add3A_268 : i32
    %dma_start3A_270 = arith.constant 0 : i32
    %dma_start3A_271 = tpu.memref_slice %arg5[%arg0, %add3A_269, %dma_start3A_270] : memref<2x10000x64xf32, #tpu.memory_space<hbm>> -> memref<1x104x64xf32, #tpu.memory_space<hbm>>
    %dma_start3A_272 = tpu.memref_squeeze %dma_start3A_271 : memref<1x104x64xf32, #tpu.memory_space<hbm>> -> memref<104x64xf32, #tpu.memory_space<hbm>>
    %dma_start3A_273 = arith.constant 0 : i32
    %dma_start3A_274 = tpu.memref_slice %arg5[%arg0, %add3A_269, %dma_start3A_273] : memref<2x10000x64xf32, #tpu.memory_space<hbm>> -> memref<1x104x64xf32, #tpu.memory_space<hbm>>
    %dma_start3A_275 = tpu.memref_squeeze %dma_start3A_274 : memref<1x104x64xf32, #tpu.memory_space<hbm>> -> memref<104x64xf32, #tpu.memory_space<hbm>>
    tpu.enqueue_dma source(%arg13 : memref<104x64xf32, #tpu.memory_space<vmem>>) target(%dma_start3A_275 : memref<104x64xf32, #tpu.memory_space<hbm>>) target_semaphore(%arg21 : memref<!tpu.dma_semaphore, #tpu.memory_space<semaphore_mem>>)
    %add3A_276 = arith.constant 312 : i32
    %add3A_277 = arith.addi %mul3A_2, %add3A_276 : i32
    %dma_wait3A_278 = arith.constant 0 : i32
    %dma_wait3A_279 = arith.constant 0 : i32
    %dma_wait3A_280 = tpu.memref_slice %arg8[%dma_wait3A_278, %dma_wait3A_279] : memref<128x64xf32, #tpu.memory_space<vmem>> -> memref<104x64xf32, #tpu.memory_space<vmem>>
    %dma_wait3A_281 = arith.constant 0 : i32
    %dma_wait3A_282 = tpu.memref_slice %arg5[%arg0, %add3A_277, %dma_wait3A_281] : memref<2x10000x64xf32, #tpu.memory_space<hbm>> -> memref<1x104x64xf32, #tpu.memory_space<hbm>>
    %dma_wait3A_283 = tpu.memref_squeeze %dma_wait3A_282 : memref<1x104x64xf32, #tpu.memory_space<hbm>> -> memref<104x64xf32, #tpu.memory_space<hbm>>
    %dma_wait3A_284 = arith.constant 0 : i32
    %dma_wait3A_285 = tpu.memref_slice %arg5[%arg0, %add3A_277, %dma_wait3A_284] : memref<2x10000x64xf32, #tpu.memory_space<hbm>> -> memref<1x104x64xf32, #tpu.memory_space<hbm>>
    %dma_wait3A_286 = tpu.memref_squeeze %dma_wait3A_285 : memref<1x104x64xf32, #tpu.memory_space<hbm>> -> memref<104x64xf32, #tpu.memory_space<hbm>>
    %dma_wait3A_287 = arith.constant 0 : i32
    %dma_wait3A_288 = arith.constant 0 : i32
    %dma_wait3A_289 = tpu.memref_slice %arg8[%dma_wait3A_287, %dma_wait3A_288] : memref<128x64xf32, #tpu.memory_space<vmem>> -> memref<104x64xf32, #tpu.memory_space<vmem>>
    tpu.wait_dma2 semaphore(%arg22 : memref<!tpu.dma_semaphore, #tpu.memory_space<semaphore_mem>>) src(%dma_wait3A_289 : memref<104x64xf32, #tpu.memory_space<vmem>>) dst(%dma_wait3A_286 : memref<104x64xf32, #tpu.memory_space<hbm>>)
    %add3A_290 = arith.constant 520 : i32
    %add3A_291 = arith.addi %mul3A_2, %add3A_290 : i32
    "tpu.region"() ({
      %run_scoped3A = tpu.sem_alloc : memref<!tpu.dma_semaphore, #tpu.memory_space<semaphore_mem>>
      %dma_start3A_333 = arith.constant 0 : i32
      %dma_start3A_334 = arith.constant 0 : i32
      %dma_start3A_335 = tpu.memref_slice %arg8[%dma_start3A_333, %dma_start3A_334] : memref<128x64xf32, #tpu.memory_space<vmem>> -> memref<104x64xf32, #tpu.memory_space<vmem>>
      %dma_start3A_336 = arith.constant 0 : i32
      %dma_start3A_337 = tpu.memref_slice %arg14[%add3A_291, %dma_start3A_336] : memref<10008x64xf32, #tpu.memory_space<vmem_shared>> -> memref<104x64xf32, #tpu.memory_space<vmem_shared>>
      %dma_start3A_338 = arith.constant 0 : i32
      %dma_start3A_339 = arith.constant 0 : i32
      %dma_start3A_340 = tpu.memref_slice %arg8[%dma_start3A_338, %dma_start3A_339] : memref<128x64xf32, #tpu.memory_space<vmem>> -> memref<104x64xf32, #tpu.memory_space<vmem>>
      %dma_start3A_341 = arith.constant 0 : i32
      %dma_start3A_342 = tpu.memref_slice %arg14[%add3A_291, %dma_start3A_341] : memref<10008x64xf32, #tpu.memory_space<vmem_shared>> -> memref<104x64xf32, #tpu.memory_space<vmem_shared>>
      tpu.enqueue_dma source(%dma_start3A_342 : memref<104x64xf32, #tpu.memory_space<vmem_shared>>) target(%dma_start3A_340 : memref<104x64xf32, #tpu.memory_space<vmem>>) target_semaphore(%run_scoped3A : memref<!tpu.dma_semaphore, #tpu.memory_space<semaphore_mem>>)
      %dma_wait3A_343 = arith.constant 0 : i32
      %dma_wait3A_344 = arith.constant 0 : i32
      %dma_wait3A_345 = tpu.memref_slice %arg8[%dma_wait3A_343, %dma_wait3A_344] : memref<128x64xf32, #tpu.memory_space<vmem>> -> memref<104x64xf32, #tpu.memory_space<vmem>>
      %dma_wait3A_346 = arith.constant 0 : i32
      %dma_wait3A_347 = tpu.memref_slice %arg14[%add3A_291, %dma_wait3A_346] : memref<10008x64xf32, #tpu.memory_space<vmem_shared>> -> memref<104x64xf32, #tpu.memory_space<vmem_shared>>
      %dma_wait3A_348 = arith.constant 0 : i32
      %dma_wait3A_349 = arith.constant 0 : i32
      %dma_wait3A_350 = tpu.memref_slice %arg8[%dma_wait3A_348, %dma_wait3A_349] : memref<128x64xf32, #tpu.memory_space<vmem>> -> memref<104x64xf32, #tpu.memory_space<vmem>>
      %dma_wait3A_351 = arith.constant 0 : i32
      %dma_wait3A_352 = tpu.memref_slice %arg14[%add3A_291, %dma_wait3A_351] : memref<10008x64xf32, #tpu.memory_space<vmem_shared>> -> memref<104x64xf32, #tpu.memory_space<vmem_shared>>
      tpu.wait_dma2 semaphore(%run_scoped3A : memref<!tpu.dma_semaphore, #tpu.memory_space<semaphore_mem>>) src(%dma_wait3A_352 : memref<104x64xf32, #tpu.memory_space<vmem_shared>>) dst(%dma_wait3A_350 : memref<104x64xf32, #tpu.memory_space<vmem>>)
      tpu.yield
    }) : () -> ()
    %add3A_292 = arith.constant 520 : i32
    %add3A_293 = arith.addi %mul3A_2, %add3A_292 : i32
    %dma_start3A_294 = arith.constant 0 : i32
    %dma_start3A_295 = arith.constant 0 : i32
    %dma_start3A_296 = tpu.memref_slice %arg8[%dma_start3A_294, %dma_start3A_295] : memref<128x64xf32, #tpu.memory_space<vmem>> -> memref<104x64xf32, #tpu.memory_space<vmem>>
    %dma_start3A_297 = arith.constant 0 : i32
    %dma_start3A_298 = tpu.memref_slice %arg5[%arg0, %add3A_293, %dma_start3A_297] : memref<2x10000x64xf32, #tpu.memory_space<hbm>> -> memref<1x104x64xf32, #tpu.memory_space<hbm>>
    %dma_start3A_299 = tpu.memref_squeeze %dma_start3A_298 : memref<1x104x64xf32, #tpu.memory_space<hbm>> -> memref<104x64xf32, #tpu.memory_space<hbm>>
    %dma_start3A_300 = arith.constant 0 : i32
    %dma_start3A_301 = tpu.memref_slice %arg5[%arg0, %add3A_293, %dma_start3A_300] : memref<2x10000x64xf32, #tpu.memory_space<hbm>> -> memref<1x104x64xf32, #tpu.memory_space<hbm>>
    %dma_start3A_302 = tpu.memref_squeeze %dma_start3A_301 : memref<1x104x64xf32, #tpu.memory_space<hbm>> -> memref<104x64xf32, #tpu.memory_space<hbm>>
    %dma_start3A_303 = arith.constant 0 : i32
    %dma_start3A_304 = arith.constant 0 : i32
    %dma_start3A_305 = tpu.memref_slice %arg8[%dma_start3A_303, %dma_start3A_304] : memref<128x64xf32, #tpu.memory_space<vmem>> -> memref<104x64xf32, #tpu.memory_space<vmem>>
    tpu.enqueue_dma source(%dma_start3A_305 : memref<104x64xf32, #tpu.memory_space<vmem>>) target(%dma_start3A_302 : memref<104x64xf32, #tpu.memory_space<hbm>>) target_semaphore(%arg22 : memref<!tpu.dma_semaphore, #tpu.memory_space<semaphore_mem>>)
    %add3A_306 = arith.constant 416 : i32
    %add3A_307 = arith.addi %mul3A_2, %add3A_306 : i32
    %dma_wait3A_308 = arith.constant 0 : i32
    %dma_wait3A_309 = tpu.memref_slice %arg5[%arg0, %add3A_307, %dma_wait3A_308] : memref<2x10000x64xf32, #tpu.memory_space<hbm>> -> memref<1x104x64xf32, #tpu.memory_space<hbm>>
    %dma_wait3A_310 = tpu.memref_squeeze %dma_wait3A_309 : memref<1x104x64xf32, #tpu.memory_space<hbm>> -> memref<104x64xf32, #tpu.memory_space<hbm>>
    %dma_wait3A_311 = arith.constant 0 : i32
    %dma_wait3A_312 = tpu.memref_slice %arg5[%arg0, %add3A_307, %dma_wait3A_311] : memref<2x10000x64xf32, #tpu.memory_space<hbm>> -> memref<1x104x64xf32, #tpu.memory_space<hbm>>
    %dma_wait3A_313 = tpu.memref_squeeze %dma_wait3A_312 : memref<1x104x64xf32, #tpu.memory_space<hbm>> -> memref<104x64xf32, #tpu.memory_space<hbm>>
    tpu.wait_dma2 semaphore(%arg21 : memref<!tpu.dma_semaphore, #tpu.memory_space<semaphore_mem>>) src(%arg13 : memref<104x64xf32, #tpu.memory_space<vmem>>) dst(%dma_wait3A_313 : memref<104x64xf32, #tpu.memory_space<hbm>>)
    %add3A_314 = arith.constant 520 : i32
    %add3A_315 = arith.addi %mul3A_2, %add3A_314 : i32
    %dma_wait3A_316 = arith.constant 0 : i32
    %dma_wait3A_317 = arith.constant 0 : i32
    %dma_wait3A_318 = tpu.memref_slice %arg8[%dma_wait3A_316, %dma_wait3A_317] : memref<128x64xf32, #tpu.memory_space<vmem>> -> memref<104x64xf32, #tpu.memory_space<vmem>>
    %dma_wait3A_319 = arith.constant 0 : i32
    %dma_wait3A_320 = tpu.memref_slice %arg5[%arg0, %add3A_315, %dma_wait3A_319] : memref<2x10000x64xf32, #tpu.memory_space<hbm>> -> memref<1x104x64xf32, #tpu.memory_space<hbm>>
    %dma_wait3A_321 = tpu.memref_squeeze %dma_wait3A_320 : memref<1x104x64xf32, #tpu.memory_space<hbm>> -> memref<104x64xf32, #tpu.memory_space<hbm>>
    %dma_wait3A_322 = arith.constant 0 : i32
    %dma_wait3A_323 = tpu.memref_slice %arg5[%arg0, %add3A_315, %dma_wait3A_322] : memref<2x10000x64xf32, #tpu.memory_space<hbm>> -> memref<1x104x64xf32, #tpu.memory_space<hbm>>
    %dma_wait3A_324 = tpu.memref_squeeze %dma_wait3A_323 : memref<1x104x64xf32, #tpu.memory_space<hbm>> -> memref<104x64xf32, #tpu.memory_space<hbm>>
    %dma_wait3A_325 = arith.constant 0 : i32
    %dma_wait3A_326 = arith.constant 0 : i32
    %dma_wait3A_327 = tpu.memref_slice %arg8[%dma_wait3A_325, %dma_wait3A_326] : memref<128x64xf32, #tpu.memory_space<vmem>> -> memref<104x64xf32, #tpu.memory_space<vmem>>
    tpu.wait_dma2 semaphore(%arg22 : memref<!tpu.dma_semaphore, #tpu.memory_space<semaphore_mem>>) src(%dma_wait3A_327 : memref<104x64xf32, #tpu.memory_space<vmem>>) dst(%dma_wait3A_324 : memref<104x64xf32, #tpu.memory_space<hbm>>)
    %eq3A_328 = arith.constant 0 : i32
    %eq3A_329 = arith.cmpi eq, %arg1, %eq3A_328 : i32
    %convert_element_type3A_330 = arith.extui %eq3A_329 : i1 to i32
    %cond3A_331 = arith.constant 0 : i32
    %cond3A_332 = arith.cmpi ne, %convert_element_type3A_330, %cond3A_331 : i32
    scf.if %cond3A_332 {
      "tpu.region"() ({
        %run_scoped3A = tpu.sem_alloc : memref<!tpu.dma_semaphore, #tpu.memory_space<semaphore_mem>>
        %dma_start3A_333 = arith.constant 0 : i32
        %dma_start3A_334 = arith.constant 0 : i32
        %dma_start3A_335 = tpu.memref_slice %arg13[%dma_start3A_333, %dma_start3A_334] : memref<104x64xf32, #tpu.memory_space<vmem>> -> memref<16x64xf32, #tpu.memory_space<vmem>>
        %dma_start3A_336 = arith.constant 9984 : i32
        %dma_start3A_337 = arith.constant 0 : i32
        %dma_start3A_338 = tpu.memref_slice %arg14[%dma_start3A_336, %dma_start3A_337] : memref<10008x64xf32, #tpu.memory_space<vmem_shared>> -> memref<16x64xf32, #tpu.memory_space<vmem_shared>>
        %dma_start3A_339 = arith.constant 0 : i32
        %dma_start3A_340 = arith.constant 0 : i32
        %dma_start3A_341 = tpu.memref_slice %arg13[%dma_start3A_339, %dma_start3A_340] : memref<104x64xf32, #tpu.memory_space<vmem>> -> memref<16x64xf32, #tpu.memory_space<vmem>>
        %dma_start3A_342 = arith.constant 9984 : i32
        %dma_start3A_343 = arith.constant 0 : i32
        %dma_start3A_344 = tpu.memref_slice %arg14[%dma_start3A_342, %dma_start3A_343] : memref<10008x64xf32, #tpu.memory_space<vmem_shared>> -> memref<16x64xf32, #tpu.memory_space<vmem_shared>>
        tpu.enqueue_dma source(%dma_start3A_344 : memref<16x64xf32, #tpu.memory_space<vmem_shared>>) target(%dma_start3A_341 : memref<16x64xf32, #tpu.memory_space<vmem>>) target_semaphore(%run_scoped3A : memref<!tpu.dma_semaphore, #tpu.memory_space<semaphore_mem>>)
        %dma_wait3A_345 = arith.constant 0 : i32
        %dma_wait3A_346 = arith.constant 0 : i32
        %dma_wait3A_347 = tpu.memref_slice %arg13[%dma_wait3A_345, %dma_wait3A_346] : memref<104x64xf32, #tpu.memory_space<vmem>> -> memref<16x64xf32, #tpu.memory_space<vmem>>
        %dma_wait3A_348 = arith.constant 9984 : i32
        %dma_wait3A_349 = arith.constant 0 : i32
        %dma_wait3A_350 = tpu.memref_slice %arg14[%dma_wait3A_348, %dma_wait3A_349] : memref<10008x64xf32, #tpu.memory_space<vmem_shared>> -> memref<16x64xf32, #tpu.memory_space<vmem_shared>>
        %dma_wait3A_351 = arith.constant 0 : i32
        %dma_wait3A_352 = arith.constant 0 : i32
        %dma_wait3A_353 = tpu.memref_slice %arg13[%dma_wait3A_351, %dma_wait3A_352] : memref<104x64xf32, #tpu.memory_space<vmem>> -> memref<16x64xf32, #tpu.memory_space<vmem>>
        %dma_wait3A_354 = arith.constant 9984 : i32
        %dma_wait3A_355 = arith.constant 0 : i32
        %dma_wait3A_356 = tpu.memref_slice %arg14[%dma_wait3A_354, %dma_wait3A_355] : memref<10008x64xf32, #tpu.memory_space<vmem_shared>> -> memref<16x64xf32, #tpu.memory_space<vmem_shared>>
        tpu.wait_dma2 semaphore(%run_scoped3A : memref<!tpu.dma_semaphore, #tpu.memory_space<semaphore_mem>>) src(%dma_wait3A_356 : memref<16x64xf32, #tpu.memory_space<vmem_shared>>) dst(%dma_wait3A_353 : memref<16x64xf32, #tpu.memory_space<vmem>>)
        tpu.yield
      }) : () -> ()
      "tpu.region"() ({
        %run_scoped3A = tpu.sem_alloc : memref<!tpu.dma_semaphore, #tpu.memory_space<semaphore_mem>>
        %dma_start3A_333 = arith.constant 0 : i32
        %dma_start3A_334 = arith.constant 0 : i32
        %dma_start3A_335 = tpu.memref_slice %arg13[%dma_start3A_333, %dma_start3A_334] : memref<104x64xf32, #tpu.memory_space<vmem>> -> memref<16x64xf32, #tpu.memory_space<vmem>>
        %dma_start3A_336 = arith.constant 9984 : i32
        %dma_start3A_337 = arith.constant 0 : i32
        %dma_start3A_338 = tpu.memref_slice %arg5[%arg0, %dma_start3A_336, %dma_start3A_337] : memref<2x10000x64xf32, #tpu.memory_space<hbm>> -> memref<1x16x64xf32, #tpu.memory_space<hbm>>
        %dma_start3A_339 = tpu.memref_squeeze %dma_start3A_338 : memref<1x16x64xf32, #tpu.memory_space<hbm>> -> memref<16x64xf32, #tpu.memory_space<hbm>>
        %dma_start3A_340 = arith.constant 9984 : i32
        %dma_start3A_341 = arith.constant 0 : i32
        %dma_start3A_342 = tpu.memref_slice %arg5[%arg0, %dma_start3A_340, %dma_start3A_341] : memref<2x10000x64xf32, #tpu.memory_space<hbm>> -> memref<1x16x64xf32, #tpu.memory_space<hbm>>
        %dma_start3A_343 = tpu.memref_squeeze %dma_start3A_342 : memref<1x16x64xf32, #tpu.memory_space<hbm>> -> memref<16x64xf32, #tpu.memory_space<hbm>>
        %dma_start3A_344 = arith.constant 0 : i32
        %dma_start3A_345 = arith.constant 0 : i32
        %dma_start3A_346 = tpu.memref_slice %arg13[%dma_start3A_344, %dma_start3A_345] : memref<104x64xf32, #tpu.memory_space<vmem>> -> memref<16x64xf32, #tpu.memory_space<vmem>>
        tpu.enqueue_dma source(%dma_start3A_346 : memref<16x64xf32, #tpu.memory_space<vmem>>) target(%dma_start3A_343 : memref<16x64xf32, #tpu.memory_space<hbm>>) target_semaphore(%run_scoped3A : memref<!tpu.dma_semaphore, #tpu.memory_space<semaphore_mem>>)
        %dma_wait3A_347 = arith.constant 0 : i32
        %dma_wait3A_348 = arith.constant 0 : i32
        %dma_wait3A_349 = tpu.memref_slice %arg13[%dma_wait3A_347, %dma_wait3A_348] : memref<104x64xf32, #tpu.memory_space<vmem>> -> memref<16x64xf32, #tpu.memory_space<vmem>>
        %dma_wait3A_350 = arith.constant 9984 : i32
        %dma_wait3A_351 = arith.constant 0 : i32
        %dma_wait3A_352 = tpu.memref_slice %arg5[%arg0, %dma_wait3A_350, %dma_wait3A_351] : memref<2x10000x64xf32, #tpu.memory_space<hbm>> -> memref<1x16x64xf32, #tpu.memory_space<hbm>>
        %dma_wait3A_353 = tpu.memref_squeeze %dma_wait3A_352 : memref<1x16x64xf32, #tpu.memory_space<hbm>> -> memref<16x64xf32, #tpu.memory_space<hbm>>
        %dma_wait3A_354 = arith.constant 9984 : i32
        %dma_wait3A_355 = arith.constant 0 : i32
        %dma_wait3A_356 = tpu.memref_slice %arg5[%arg0, %dma_wait3A_354, %dma_wait3A_355] : memref<2x10000x64xf32, #tpu.memory_space<hbm>> -> memref<1x16x64xf32, #tpu.memory_space<hbm>>
        %dma_wait3A_357 = tpu.memref_squeeze %dma_wait3A_356 : memref<1x16x64xf32, #tpu.memory_space<hbm>> -> memref<16x64xf32, #tpu.memory_space<hbm>>
        %dma_wait3A_358 = arith.constant 0 : i32
        %dma_wait3A_359 = arith.constant 0 : i32
        %dma_wait3A_360 = tpu.memref_slice %arg13[%dma_wait3A_358, %dma_wait3A_359] : memref<104x64xf32, #tpu.memory_space<vmem>> -> memref<16x64xf32, #tpu.memory_space<vmem>>
        tpu.wait_dma2 semaphore(%run_scoped3A : memref<!tpu.dma_semaphore, #tpu.memory_space<semaphore_mem>>) src(%dma_wait3A_360 : memref<16x64xf32, #tpu.memory_space<vmem>>) dst(%dma_wait3A_357 : memref<16x64xf32, #tpu.memory_space<hbm>>)
        tpu.yield
      }) : () -> ()
    } else {
    }
    return
  }
}

#map = affine_map<(d0, d1) -> (0, 0, 0)>
#map1 = affine_map<(d0, d1) -> (0)>
module attributes {stable_mosaic.version = 14 : i64} {
  func.func @_sc_degree(%arg0: i32, %arg1: i32, %arg2: memref<32x125x80xi32, #tpu.memory_space<hbm>>, %arg3: memref<20000xf32, #tpu.memory_space<hbm>>, %arg4: memref<125x80xi32, #tpu.memory_space<vmem>>, %arg5: memref<80xf32, #tpu.memory_space<vmem>>, %arg6: memref<624xf32, #tpu.memory_space<vmem>>, %arg7: memref<10000xf32, #tpu.memory_space<vmem_shared>>, %arg8: memref<!tpu.dma_semaphore, #tpu.memory_space<semaphore_mem>>) attributes {dimension_semantics = [#tpu.dimension_semantics<core_parallel>, #tpu.dimension_semantics<subcore_parallel>], iteration_bounds = array<i64: 2, 16>, scalar_prefetch = 0 : i64, scratch_operands = 5 : i64, tpu.core_type = #tpu.core_type<sc_vector_subcore>, window_params = [{transform_indices = #map}, {transform_indices = #map1}]} {
    %mul3A = arith.constant 16 : i32
    %mul3A_0 = arith.muli %arg0, %mul3A : i32
    %add3A = arith.addi %mul3A_0, %arg1 : i32
    %scan3A = arith.constant 0 : i32
    %scan3A_1 = arith.constant 0 : i32
    %scan3A_2 = arith.constant 39 : i32
    %scan3A_3 = arith.addi %scan3A_1, %scan3A_2 : i32
    %scan3A_4 = arith.constant 1 : i32
    %scan3A_5 = scf.for %scan3A_45 = %scan3A_1 to %scan3A_3 step %scan3A_4 iter_args(%scan3A_46 = %scan3A) -> (i32)  : i32 {
      %broadcast_in_dim3A = arith.constant 0.000000e+00 : f32
      %broadcast_in_dim3A_47 = vector.broadcast %broadcast_in_dim3A : f32 to vector<16xf32>
      %mul3A_48 = arith.constant 16 : i32
      %mul3A_49 = arith.muli %scan3A_45, %mul3A_48 : i32
      %swap3A = arith.index_cast %mul3A_49 : i32 to index
      %swap3A_50 = tpu.vector_load %arg6[%swap3A] {strides = array<i32>} : memref<624xf32, #tpu.memory_space<vmem>>, vector<16xf32>,
      %swap3A_51 = vector.shape_cast %swap3A_50 : vector<16xf32> to vector<16xf32>
      %swap3A_52 = vector.shape_cast %broadcast_in_dim3A_47 : vector<16xf32> to vector<16xf32>
      tpu.vector_store %arg6[%swap3A], %swap3A_52 {strides = array<i32>} : memref<624xf32, #tpu.memory_space<vmem>>, vector<16xf32>,
      %scan3A_53 = arith.constant 0 : i32
      scf.yield %scan3A_53 : i32
    }
    %scan3A_6 = arith.constant 39 : i32
    %scan3A_7 = arith.constant 0 : i32
    %scan3A_8 = arith.constant 0 : i32
    %scan3A_9 = arith.constant 5 : i32
    %scan3A_10 = arith.addi %scan3A_8, %scan3A_9 : i32
    %scan3A_11 = arith.constant 1 : i32
    %scan3A_12 = scf.for %scan3A_45 = %scan3A_8 to %scan3A_10 step %scan3A_11 iter_args(%scan3A_46 = %scan3A_7) -> (i32)  : i32 {
      %broadcast_in_dim3A = arith.constant 1.000000e+00 : f32
      %broadcast_in_dim3A_47 = vector.broadcast %broadcast_in_dim3A : f32 to vector<16xf32>
      %mul3A_48 = arith.constant 16 : i32
      %mul3A_49 = arith.muli %scan3A_45, %mul3A_48 : i32
      %swap3A = arith.index_cast %mul3A_49 : i32 to index
      %swap3A_50 = tpu.vector_load %arg5[%swap3A] {strides = array<i32>} : memref<80xf32, #tpu.memory_space<vmem>>, vector<16xf32>,
      %swap3A_51 = vector.shape_cast %swap3A_50 : vector<16xf32> to vector<16xf32>
      %swap3A_52 = vector.shape_cast %broadcast_in_dim3A_47 : vector<16xf32> to vector<16xf32>
      tpu.vector_store %arg5[%swap3A], %swap3A_52 {strides = array<i32>} : memref<80xf32, #tpu.memory_space<vmem>>, vector<16xf32>,
      %scan3A_53 = arith.constant 0 : i32
      scf.yield %scan3A_53 : i32
    }
    %scan3A_13 = arith.constant 5 : i32
    %mul3A_14 = arith.constant 624 : i32
    %mul3A_15 = arith.muli %arg1, %mul3A_14 : i32
    "tpu.region"() ({
      %run_scoped3A = tpu.sem_alloc : memref<!tpu.dma_semaphore, #tpu.memory_space<semaphore_mem>>
      %dma_start3A = tpu.memref_slice %arg7[%mul3A_15] : memref<10000xf32, #tpu.memory_space<vmem_shared>> -> memref<624xf32, #tpu.memory_space<vmem_shared>>
      %dma_start3A_45 = tpu.memref_slice %arg7[%mul3A_15] : memref<10000xf32, #tpu.memory_space<vmem_shared>> -> memref<624xf32, #tpu.memory_space<vmem_shared>>
      tpu.enqueue_dma source(%arg6 : memref<624xf32, #tpu.memory_space<vmem>>) target(%dma_start3A_45 : memref<624xf32, #tpu.memory_space<vmem_shared>>) target_semaphore(%run_scoped3A : memref<!tpu.dma_semaphore, #tpu.memory_space<semaphore_mem>>)
      %dma_wait3A = tpu.memref_slice %arg7[%mul3A_15] : memref<10000xf32, #tpu.memory_space<vmem_shared>> -> memref<624xf32, #tpu.memory_space<vmem_shared>>
      %dma_wait3A_46 = tpu.memref_slice %arg7[%mul3A_15] : memref<10000xf32, #tpu.memory_space<vmem_shared>> -> memref<624xf32, #tpu.memory_space<vmem_shared>>
      tpu.wait_dma2 semaphore(%run_scoped3A : memref<!tpu.dma_semaphore, #tpu.memory_space<semaphore_mem>>) src(%arg6 : memref<624xf32, #tpu.memory_space<vmem>>) dst(%dma_wait3A_46 : memref<624xf32, #tpu.memory_space<vmem_shared>>)
      tpu.yield
    }) : () -> ()
    %eq3A = arith.constant 0 : i32
    %eq3A_16 = arith.cmpi eq, %arg1, %eq3A : i32
    %convert_element_type3A = arith.extui %eq3A_16 : i1 to i32
    %cond3A = arith.constant 0 : i32
    %cond3A_17 = arith.cmpi ne, %convert_element_type3A, %cond3A : i32
    scf.if %cond3A_17 {
      "tpu.region"() ({
        %run_scoped3A = tpu.sem_alloc : memref<!tpu.dma_semaphore, #tpu.memory_space<semaphore_mem>>
        %dma_start3A = arith.constant 0 : i32
        %dma_start3A_45 = tpu.memref_slice %arg6[%dma_start3A] : memref<624xf32, #tpu.memory_space<vmem>> -> memref<16xf32, #tpu.memory_space<vmem>>
        %dma_start3A_46 = arith.constant 9984 : i32
        %dma_start3A_47 = tpu.memref_slice %arg7[%dma_start3A_46] : memref<10000xf32, #tpu.memory_space<vmem_shared>> -> memref<16xf32, #tpu.memory_space<vmem_shared>>
        %dma_start3A_48 = arith.constant 9984 : i32
        %dma_start3A_49 = tpu.memref_slice %arg7[%dma_start3A_48] : memref<10000xf32, #tpu.memory_space<vmem_shared>> -> memref<16xf32, #tpu.memory_space<vmem_shared>>
        %dma_start3A_50 = arith.constant 0 : i32
        %dma_start3A_51 = tpu.memref_slice %arg6[%dma_start3A_50] : memref<624xf32, #tpu.memory_space<vmem>> -> memref<16xf32, #tpu.memory_space<vmem>>
        tpu.enqueue_dma source(%dma_start3A_51 : memref<16xf32, #tpu.memory_space<vmem>>) target(%dma_start3A_49 : memref<16xf32, #tpu.memory_space<vmem_shared>>) target_semaphore(%run_scoped3A : memref<!tpu.dma_semaphore, #tpu.memory_space<semaphore_mem>>)
        %dma_wait3A = arith.constant 0 : i32
        %dma_wait3A_52 = tpu.memref_slice %arg6[%dma_wait3A] : memref<624xf32, #tpu.memory_space<vmem>> -> memref<16xf32, #tpu.memory_space<vmem>>
        %dma_wait3A_53 = arith.constant 9984 : i32
        %dma_wait3A_54 = tpu.memref_slice %arg7[%dma_wait3A_53] : memref<10000xf32, #tpu.memory_space<vmem_shared>> -> memref<16xf32, #tpu.memory_space<vmem_shared>>
        %dma_wait3A_55 = arith.constant 9984 : i32
        %dma_wait3A_56 = tpu.memref_slice %arg7[%dma_wait3A_55] : memref<10000xf32, #tpu.memory_space<vmem_shared>> -> memref<16xf32, #tpu.memory_space<vmem_shared>>
        %dma_wait3A_57 = arith.constant 0 : i32
        %dma_wait3A_58 = tpu.memref_slice %arg6[%dma_wait3A_57] : memref<624xf32, #tpu.memory_space<vmem>> -> memref<16xf32, #tpu.memory_space<vmem>>
        tpu.wait_dma2 semaphore(%run_scoped3A : memref<!tpu.dma_semaphore, #tpu.memory_space<semaphore_mem>>) src(%dma_wait3A_58 : memref<16xf32, #tpu.memory_space<vmem>>) dst(%dma_wait3A_56 : memref<16xf32, #tpu.memory_space<vmem_shared>>)
        tpu.yield
      }) : () -> ()
    } else {
    }
    %barrier3A = arith.constant 0 : index
    tpu.barrier barrier_id(%barrier3A)
    "tpu.region"() ({
      %run_scoped3A = tpu.sem_alloc : memref<!tpu.dma_semaphore, #tpu.memory_space<semaphore_mem>>
      %dma_start3A = arith.constant 0 : i32
      %dma_start3A_45 = arith.constant 0 : i32
      %dma_start3A_46 = tpu.memref_slice %arg2[%add3A, %dma_start3A, %dma_start3A_45] : memref<32x125x80xi32, #tpu.memory_space<hbm>> -> memref<1x125x80xi32, #tpu.memory_space<hbm>>
      %dma_start3A_47 = tpu.memref_squeeze %dma_start3A_46 : memref<1x125x80xi32, #tpu.memory_space<hbm>> -> memref<125x80xi32, #tpu.memory_space<hbm>>
      %dma_start3A_48 = arith.constant 0 : i32
      %dma_start3A_49 = arith.constant 0 : i32
      %dma_start3A_50 = tpu.memref_slice %arg2[%add3A, %dma_start3A_48, %dma_start3A_49] : memref<32x125x80xi32, #tpu.memory_space<hbm>> -> memref<1x125x80xi32, #tpu.memory_space<hbm>>
      %dma_start3A_51 = tpu.memref_squeeze %dma_start3A_50 : memref<1x125x80xi32, #tpu.memory_space<hbm>> -> memref<125x80xi32, #tpu.memory_space<hbm>>
      tpu.enqueue_dma source(%dma_start3A_51 : memref<125x80xi32, #tpu.memory_space<hbm>>) target(%arg4 : memref<125x80xi32, #tpu.memory_space<vmem>>) target_semaphore(%run_scoped3A : memref<!tpu.dma_semaphore, #tpu.memory_space<semaphore_mem>>)
      %dma_wait3A = arith.constant 0 : i32
      %dma_wait3A_52 = arith.constant 0 : i32
      %dma_wait3A_53 = tpu.memref_slice %arg2[%add3A, %dma_wait3A, %dma_wait3A_52] : memref<32x125x80xi32, #tpu.memory_space<hbm>> -> memref<1x125x80xi32, #tpu.memory_space<hbm>>
      %dma_wait3A_54 = tpu.memref_squeeze %dma_wait3A_53 : memref<1x125x80xi32, #tpu.memory_space<hbm>> -> memref<125x80xi32, #tpu.memory_space<hbm>>
      %dma_wait3A_55 = arith.constant 0 : i32
      %dma_wait3A_56 = arith.constant 0 : i32
      %dma_wait3A_57 = tpu.memref_slice %arg2[%add3A, %dma_wait3A_55, %dma_wait3A_56] : memref<32x125x80xi32, #tpu.memory_space<hbm>> -> memref<1x125x80xi32, #tpu.memory_space<hbm>>
      %dma_wait3A_58 = tpu.memref_squeeze %dma_wait3A_57 : memref<1x125x80xi32, #tpu.memory_space<hbm>> -> memref<125x80xi32, #tpu.memory_space<hbm>>
      tpu.wait_dma2 semaphore(%run_scoped3A : memref<!tpu.dma_semaphore, #tpu.memory_space<semaphore_mem>>) src(%dma_wait3A_58 : memref<125x80xi32, #tpu.memory_space<hbm>>) dst(%arg4 : memref<125x80xi32, #tpu.memory_space<vmem>>)
      tpu.yield
    }) : () -> ()
    %scan3A_18 = arith.constant 0 : i32
    %scan3A_19 = arith.constant 0 : i32
    %scan3A_20 = arith.constant 125 : i32
    %scan3A_21 = arith.addi %scan3A_19, %scan3A_20 : i32
    %scan3A_22 = arith.constant 1 : i32
    %scan3A_23 = scf.for %scan3A_45 = %scan3A_19 to %scan3A_21 step %scan3A_22 iter_args(%scan3A_46 = %scan3A_18) -> (i32)  : i32 {
      %dma_start3A = arith.constant 0 : i32
      %dma_start3A_47 = tpu.memref_slice %arg4[%scan3A_45, %dma_start3A] : memref<125x80xi32, #tpu.memory_space<vmem>> -> memref<1x80xi32, #tpu.memory_space<vmem>>
      %dma_start3A_48 = tpu.memref_squeeze %dma_start3A_47 : memref<1x80xi32, #tpu.memory_space<vmem>> -> memref<80xi32, #tpu.memory_space<vmem>>
      %dma_start3A_49 = arith.constant 0 : i32
      %dma_start3A_50 = tpu.memref_slice %arg7[%dma_start3A_49] : memref<10000xf32, #tpu.memory_space<vmem_shared>> -> memref<10000xf32, #tpu.memory_space<vmem_shared>>
      tpu.enqueue_indirect_dma source(%arg5 : memref<80xf32, #tpu.memory_space<vmem>>) target(%dma_start3A_50 : memref<10000xf32, #tpu.memory_space<vmem_shared>>) offsets(%dma_start3A_48 : memref<80xi32, #tpu.memory_space<vmem>>) semaphore(%arg8 : memref<!tpu.dma_semaphore, #tpu.memory_space<semaphore_mem>>) {add = true}
      %scan3A_51 = arith.constant 0 : i32
      scf.yield %scan3A_51 : i32
    }
    %scan3A_24 = arith.constant 125 : i32
    %scan3A_25 = arith.constant 0 : i32
    %scan3A_26 = arith.constant 0 : i32
    %scan3A_27 = arith.constant 125 : i32
    %scan3A_28 = arith.addi %scan3A_26, %scan3A_27 : i32
    %scan3A_29 = arith.constant 1 : i32
    %scan3A_30 = scf.for %scan3A_45 = %scan3A_26 to %scan3A_28 step %scan3A_29 iter_args(%scan3A_46 = %scan3A_25) -> (i32)  : i32 {
      %dma_wait3A = arith.constant 0 : i32
      %dma_wait3A_47 = tpu.memref_slice %arg4[%scan3A_45, %dma_wait3A] : memref<125x80xi32, #tpu.memory_space<vmem>> -> memref<1x80xi32, #tpu.memory_space<vmem>>
      %dma_wait3A_48 = tpu.memref_squeeze %dma_wait3A_47 : memref<1x80xi32, #tpu.memory_space<vmem>> -> memref<80xi32, #tpu.memory_space<vmem>>
      %dma_wait3A_49 = arith.constant 0 : i32
      %dma_wait3A_50 = tpu.memref_slice %arg7[%dma_wait3A_49] : memref<10000xf32, #tpu.memory_space<vmem_shared>> -> memref<10000xf32, #tpu.memory_space<vmem_shared>>
      tpu.wait_indirect_dma semaphore(%arg8 : memref<!tpu.dma_semaphore, #tpu.memory_space<semaphore_mem>>) src(%arg5 : memref<80xf32, #tpu.memory_space<vmem>>) dst(%dma_wait3A_50 : memref<10000xf32, #tpu.memory_space<vmem_shared>>)
      %scan3A_51 = arith.constant 0 : i32
      scf.yield %scan3A_51 : i32
    }
    %scan3A_31 = arith.constant 125 : i32
    %barrier3A_32 = arith.constant 0 : index
    tpu.barrier barrier_id(%barrier3A_32)
    %mul3A_33 = arith.constant 624 : i32
    %mul3A_34 = arith.muli %arg1, %mul3A_33 : i32
    "tpu.region"() ({
      %run_scoped3A = tpu.sem_alloc : memref<!tpu.dma_semaphore, #tpu.memory_space<semaphore_mem>>
      %dma_start3A = tpu.memref_slice %arg7[%mul3A_34] : memref<10000xf32, #tpu.memory_space<vmem_shared>> -> memref<624xf32, #tpu.memory_space<vmem_shared>>
      %dma_start3A_45 = tpu.memref_slice %arg7[%mul3A_34] : memref<10000xf32, #tpu.memory_space<vmem_shared>> -> memref<624xf32, #tpu.memory_space<vmem_shared>>
      tpu.enqueue_dma source(%dma_start3A_45 : memref<624xf32, #tpu.memory_space<vmem_shared>>) target(%arg6 : memref<624xf32, #tpu.memory_space<vmem>>) target_semaphore(%run_scoped3A : memref<!tpu.dma_semaphore, #tpu.memory_space<semaphore_mem>>)
      %dma_wait3A = tpu.memref_slice %arg7[%mul3A_34] : memref<10000xf32, #tpu.memory_space<vmem_shared>> -> memref<624xf32, #tpu.memory_space<vmem_shared>>
      %dma_wait3A_46 = tpu.memref_slice %arg7[%mul3A_34] : memref<10000xf32, #tpu.memory_space<vmem_shared>> -> memref<624xf32, #tpu.memory_space<vmem_shared>>
      tpu.wait_dma2 semaphore(%run_scoped3A : memref<!tpu.dma_semaphore, #tpu.memory_space<semaphore_mem>>) src(%dma_wait3A_46 : memref<624xf32, #tpu.memory_space<vmem_shared>>) dst(%arg6 : memref<624xf32, #tpu.memory_space<vmem>>)
      tpu.yield
    }) : () -> ()
    %mul3A_35 = arith.constant 10000 : i32
    %mul3A_36 = arith.muli %arg0, %mul3A_35 : i32
    %mul3A_37 = arith.constant 624 : i32
    %mul3A_38 = arith.muli %arg1, %mul3A_37 : i32
    %add3A_39 = arith.addi %mul3A_36, %mul3A_38 : i32
    "tpu.region"() ({
      %run_scoped3A = tpu.sem_alloc : memref<!tpu.dma_semaphore, #tpu.memory_space<semaphore_mem>>
      %dma_start3A = tpu.memref_slice %arg3[%add3A_39] : memref<20000xf32, #tpu.memory_space<hbm>> -> memref<624xf32, #tpu.memory_space<hbm>>
      %dma_start3A_45 = tpu.memref_slice %arg3[%add3A_39] : memref<20000xf32, #tpu.memory_space<hbm>> -> memref<624xf32, #tpu.memory_space<hbm>>
      tpu.enqueue_dma source(%arg6 : memref<624xf32, #tpu.memory_space<vmem>>) target(%dma_start3A_45 : memref<624xf32, #tpu.memory_space<hbm>>) target_semaphore(%run_scoped3A : memref<!tpu.dma_semaphore, #tpu.memory_space<semaphore_mem>>)
      %dma_wait3A = tpu.memref_slice %arg3[%add3A_39] : memref<20000xf32, #tpu.memory_space<hbm>> -> memref<624xf32, #tpu.memory_space<hbm>>
      %dma_wait3A_46 = tpu.memref_slice %arg3[%add3A_39] : memref<20000xf32, #tpu.memory_space<hbm>> -> memref<624xf32, #tpu.memory_space<hbm>>
      tpu.wait_dma2 semaphore(%run_scoped3A : memref<!tpu.dma_semaphore, #tpu.memory_space<semaphore_mem>>) src(%arg6 : memref<624xf32, #tpu.memory_space<vmem>>) dst(%dma_wait3A_46 : memref<624xf32, #tpu.memory_space<hbm>>)
      tpu.yield
    }) : () -> ()
    %eq3A_40 = arith.constant 0 : i32
    %eq3A_41 = arith.cmpi eq, %arg1, %eq3A_40 : i32
    %convert_element_type3A_42 = arith.extui %eq3A_41 : i1 to i32
    %cond3A_43 = arith.constant 0 : i32
    %cond3A_44 = arith.cmpi ne, %convert_element_type3A_42, %cond3A_43 : i32
    scf.if %cond3A_44 {
      "tpu.region"() ({
        %run_scoped3A = tpu.sem_alloc : memref<!tpu.dma_semaphore, #tpu.memory_space<semaphore_mem>>
        %dma_start3A = arith.constant 0 : i32
        %dma_start3A_49 = tpu.memref_slice %arg6[%dma_start3A] : memref<624xf32, #tpu.memory_space<vmem>> -> memref<16xf32, #tpu.memory_space<vmem>>
        %dma_start3A_50 = arith.constant 9984 : i32
        %dma_start3A_51 = tpu.memref_slice %arg7[%dma_start3A_50] : memref<10000xf32, #tpu.memory_space<vmem_shared>> -> memref<16xf32, #tpu.memory_space<vmem_shared>>
        %dma_start3A_52 = arith.constant 0 : i32
        %dma_start3A_53 = tpu.memref_slice %arg6[%dma_start3A_52] : memref<624xf32, #tpu.memory_space<vmem>> -> memref<16xf32, #tpu.memory_space<vmem>>
        %dma_start3A_54 = arith.constant 9984 : i32
        %dma_start3A_55 = tpu.memref_slice %arg7[%dma_start3A_54] : memref<10000xf32, #tpu.memory_space<vmem_shared>> -> memref<16xf32, #tpu.memory_space<vmem_shared>>
        tpu.enqueue_dma source(%dma_start3A_55 : memref<16xf32, #tpu.memory_space<vmem_shared>>) target(%dma_start3A_53 : memref<16xf32, #tpu.memory_space<vmem>>) target_semaphore(%run_scoped3A : memref<!tpu.dma_semaphore, #tpu.memory_space<semaphore_mem>>)
        %dma_wait3A = arith.constant 0 : i32
        %dma_wait3A_56 = tpu.memref_slice %arg6[%dma_wait3A] : memref<624xf32, #tpu.memory_space<vmem>> -> memref<16xf32, #tpu.memory_space<vmem>>
        %dma_wait3A_57 = arith.constant 9984 : i32
        %dma_wait3A_58 = tpu.memref_slice %arg7[%dma_wait3A_57] : memref<10000xf32, #tpu.memory_space<vmem_shared>> -> memref<16xf32, #tpu.memory_space<vmem_shared>>
        %dma_wait3A_59 = arith.constant 0 : i32
        %dma_wait3A_60 = tpu.memref_slice %arg6[%dma_wait3A_59] : memref<624xf32, #tpu.memory_space<vmem>> -> memref<16xf32, #tpu.memory_space<vmem>>
        %dma_wait3A_61 = arith.constant 9984 : i32
        %dma_wait3A_62 = tpu.memref_slice %arg7[%dma_wait3A_61] : memref<10000xf32, #tpu.memory_space<vmem_shared>> -> memref<16xf32, #tpu.memory_space<vmem_shared>>
        tpu.wait_dma2 semaphore(%run_scoped3A : memref<!tpu.dma_semaphore, #tpu.memory_space<semaphore_mem>>) src(%dma_wait3A_62 : memref<16xf32, #tpu.memory_space<vmem_shared>>) dst(%dma_wait3A_60 : memref<16xf32, #tpu.memory_space<vmem>>)
        tpu.yield
      }) : () -> ()
      %mul3A_45 = arith.constant 10000 : i32
      %mul3A_46 = arith.muli %arg0, %mul3A_45 : i32
      %add3A_47 = arith.constant 9984 : i32
      %add3A_48 = arith.addi %mul3A_46, %add3A_47 : i32
      "tpu.region"() ({
        %run_scoped3A = tpu.sem_alloc : memref<!tpu.dma_semaphore, #tpu.memory_space<semaphore_mem>>
        %dma_start3A = arith.constant 0 : i32
        %dma_start3A_49 = tpu.memref_slice %arg6[%dma_start3A] : memref<624xf32, #tpu.memory_space<vmem>> -> memref<16xf32, #tpu.memory_space<vmem>>
        %dma_start3A_50 = tpu.memref_slice %arg3[%add3A_48] : memref<20000xf32, #tpu.memory_space<hbm>> -> memref<16xf32, #tpu.memory_space<hbm>>
        %dma_start3A_51 = tpu.memref_slice %arg3[%add3A_48] : memref<20000xf32, #tpu.memory_space<hbm>> -> memref<16xf32, #tpu.memory_space<hbm>>
        %dma_start3A_52 = arith.constant 0 : i32
        %dma_start3A_53 = tpu.memref_slice %arg6[%dma_start3A_52] : memref<624xf32, #tpu.memory_space<vmem>> -> memref<16xf32, #tpu.memory_space<vmem>>
        tpu.enqueue_dma source(%dma_start3A_53 : memref<16xf32, #tpu.memory_space<vmem>>) target(%dma_start3A_51 : memref<16xf32, #tpu.memory_space<hbm>>) target_semaphore(%run_scoped3A : memref<!tpu.dma_semaphore, #tpu.memory_space<semaphore_mem>>)
        %dma_wait3A = arith.constant 0 : i32
        %dma_wait3A_54 = tpu.memref_slice %arg6[%dma_wait3A] : memref<624xf32, #tpu.memory_space<vmem>> -> memref<16xf32, #tpu.memory_space<vmem>>
        %dma_wait3A_55 = tpu.memref_slice %arg3[%add3A_48] : memref<20000xf32, #tpu.memory_space<hbm>> -> memref<16xf32, #tpu.memory_space<hbm>>
        %dma_wait3A_56 = tpu.memref_slice %arg3[%add3A_48] : memref<20000xf32, #tpu.memory_space<hbm>> -> memref<16xf32, #tpu.memory_space<hbm>>
        %dma_wait3A_57 = arith.constant 0 : i32
        %dma_wait3A_58 = tpu.memref_slice %arg6[%dma_wait3A_57] : memref<624xf32, #tpu.memory_space<vmem>> -> memref<16xf32, #tpu.memory_space<vmem>>
        tpu.wait_dma2 semaphore(%run_scoped3A : memref<!tpu.dma_semaphore, #tpu.memory_space<semaphore_mem>>) src(%dma_wait3A_58 : memref<16xf32, #tpu.memory_space<vmem>>) dst(%dma_wait3A_56 : memref<16xf32, #tpu.memory_space<hbm>>)
        tpu.yield
      }) : () -> ()
    } else {
    }
    return
  }
}

module attributes {stable_mosaic.version = 14 : i64} {
  func.func @_tc_prep_body(%arg0: i32, %arg1: memref<2x2000x1xf32, #tpu.memory_space<vmem>>, %arg2: memref<2000x128xf32, #tpu.memory_space<vmem>>, %arg3: memref<128x128xf32, #tpu.memory_space<vmem>>, %arg4: memref<2000x128xf32, #tpu.memory_space<vmem>>, %arg5: memref<2x2000x64xf32, #tpu.memory_space<vmem>>, %arg6: memref<2000x1xf32, #tpu.memory_space<vmem>>) attributes {dimension_semantics = [#tpu.dimension_semantics<arbitrary>], iteration_bounds = array<i64: 5>, scalar_prefetch = 0 : i64, scratch_operands = 0 : i64, tpu.core_type = #tpu.core_type<tc>, window_params = [{transform_indices = @transform_0, window_bounds = array<i64: 2, 2000, 1>}, {transform_indices = @transform_1, window_bounds = array<i64: 2000, 128>}, {pipeline_mode = #tpu.pipeline_mode<synchronous>, transform_indices = @transform_2, window_bounds = array<i64: 128, 128>}, {transform_indices = @transform_3, window_bounds = array<i64: 2000, 128>}, {transform_indices = @transform_4, window_bounds = array<i64: 2, 2000, 64>}, {transform_indices = @transform_5, window_bounds = array<i64: 2000, 1>}]} {
    %get3A = arith.constant 0 : index
    %get3A_0 = arith.constant 0 : index
    %get3A_1 = arith.constant 0 : index
    %get3A_2 = vector.load %arg1[%get3A, %get3A_0, %get3A_1] : memref<2x2000x1xf32, #tpu.memory_space<vmem>>, vector<1x2000x1xf32>
    %get3A_3 = vector.shape_cast %get3A_2 : vector<1x2000x1xf32> to vector<2000x1xf32>
    %get3A_4 = arith.constant 1 : index
    %get3A_5 = arith.constant 0 : index
    %get3A_6 = arith.constant 0 : index
    %get3A_7 = vector.load %arg1[%get3A_4, %get3A_5, %get3A_6] : memref<2x2000x1xf32, #tpu.memory_space<vmem>>, vector<1x2000x1xf32>
    %get3A_8 = vector.shape_cast %get3A_7 : vector<1x2000x1xf32> to vector<2000x1xf32>
    %add3A = arith.addf %get3A_3, %get3A_8 : vector<2000x1xf32>
    %add3A_9 = arith.constant 1.000000e+00 : f32
    %add3A_10 = vector.broadcast %add3A_9 : f32 to vector<2000x1xf32>
    %add3A_11 = arith.addf %add3A, %add3A_10 : vector<2000x1xf32>
    %rsqrt3A = math.rsqrt %add3A_11 : vector<2000x1xf32>
    %get3A_12 = arith.constant 0 : index
    %get3A_13 = arith.constant 0 : index
    %get3A_14 = vector.load %arg2[%get3A_12, %get3A_13] : memref<2000x128xf32, #tpu.memory_space<vmem>>, vector<2000x128xf32>
    %get3A_15 = arith.constant 0 : index
    %get3A_16 = arith.constant 0 : index
    %get3A_17 = vector.load %arg3[%get3A_15, %get3A_16] : memref<128x128xf32, #tpu.memory_space<vmem>>, vector<128x128xf32>
    %dot_general3A = arith.constant dense<0.000000e+00> : vector<2000x128xf32>
    %dot_general3A_18 = tpu.matmul %get3A_14, %get3A_17, %dot_general3A {dimension_numbers = #tpu.dot_dimension_numbers<[1], [0], [0], [1], [0, 0, 1, 1], [], []>, transpose_lhs_hint = false} : vector<2000x128xf32>, vector<128x128xf32>, vector<2000x128xf32> -> vector<2000x128xf32>
    %swap3A = arith.constant 0 : index
    %swap3A_19 = arith.constant 0 : index
    %swap3A_20 = vector.load %arg4[%swap3A, %swap3A_19] : memref<2000x128xf32, #tpu.memory_space<vmem>>, vector<2000x128xf32>
    tpu.vector_store %arg4[%swap3A, %swap3A_19], %dot_general3A_18 {strides = array<i32>} : memref<2000x128xf32, #tpu.memory_space<vmem>>, vector<2000x128xf32>,
    %mul3A = vector.broadcast %rsqrt3A : vector<2000x1xf32> to vector<2000x128xf32>
    %mul3A_21 = arith.mulf %dot_general3A_18, %mul3A : vector<2000x128xf32>
    %slice3A = vector.extract_strided_slice %mul3A_21 {offsets = [0, 0], sizes = [2000, 64], strides = [1, 1]} : vector<2000x128xf32> to vector<2000x64xf32>
    %swap3A_22 = arith.constant 0 : index
    %swap3A_23 = arith.constant 0 : index
    %swap3A_24 = arith.constant 0 : index
    %swap3A_25 = vector.load %arg5[%swap3A_22, %swap3A_23, %swap3A_24] : memref<2x2000x64xf32, #tpu.memory_space<vmem>>, vector<1x2000x64xf32>
    %swap3A_26 = vector.shape_cast %swap3A_25 : vector<1x2000x64xf32> to vector<2000x64xf32>
    %swap3A_27 = vector.shape_cast %slice3A : vector<2000x64xf32> to vector<1x2000x64xf32>
    tpu.vector_store %arg5[%swap3A_22, %swap3A_23, %swap3A_24], %swap3A_27 {strides = array<i32>} : memref<2x2000x64xf32, #tpu.memory_space<vmem>>, vector<1x2000x64xf32>,
    %slice3A_28 = vector.extract_strided_slice %mul3A_21 {offsets = [0, 64], sizes = [2000, 64], strides = [1, 1]} : vector<2000x128xf32> to vector<2000x64xf32>
    %swap3A_29 = arith.constant 1 : index
    %swap3A_30 = arith.constant 0 : index
    %swap3A_31 = arith.constant 0 : index
    %swap3A_32 = vector.load %arg5[%swap3A_29, %swap3A_30, %swap3A_31] : memref<2x2000x64xf32, #tpu.memory_space<vmem>>, vector<1x2000x64xf32>
    %swap3A_33 = vector.shape_cast %swap3A_32 : vector<1x2000x64xf32> to vector<2000x64xf32>
    %swap3A_34 = vector.shape_cast %slice3A_28 : vector<2000x64xf32> to vector<1x2000x64xf32>
    tpu.vector_store %arg5[%swap3A_29, %swap3A_30, %swap3A_31], %swap3A_34 {strides = array<i32>} : memref<2x2000x64xf32, #tpu.memory_space<vmem>>, vector<1x2000x64xf32>,
    %swap3A_35 = arith.constant 0 : index
    %swap3A_36 = arith.constant 0 : index
    %swap3A_37 = vector.load %arg6[%swap3A_35, %swap3A_36] : memref<2000x1xf32, #tpu.memory_space<vmem>>, vector<2000x1xf32>
    tpu.vector_store %arg6[%swap3A_35, %swap3A_36], %rsqrt3A {strides = array<i32>} : memref<2000x1xf32, #tpu.memory_space<vmem>>, vector<2000x1xf32>,
    return
  }
  func.func @transform_0(%arg0: i32) -> (i32, i32, i32) {
    %c0_i32 = arith.constant 0 : i32
    %c0_i32_0 = arith.constant 0 : i32
    %c0_i32_1 = arith.constant 0 : i32
    return %c0_i32, %arg0, %c0_i32_0 : i32, i32, i32
  }
  func.func @transform_1(%arg0: i32) -> (i32, i32) {
    %c0_i32 = arith.constant 0 : i32
    %c0_i32_0 = arith.constant 0 : i32
    return %arg0, %c0_i32 : i32, i32
  }
  func.func @transform_2(%arg0: i32) -> (i32, i32) {
    %c0_i32 = arith.constant 0 : i32
    %c0_i32_0 = arith.constant 0 : i32
    %c0_i32_1 = arith.constant 0 : i32
    return %c0_i32, %c0_i32_0 : i32, i32
  }
  func.func @transform_3(%arg0: i32) -> (i32, i32) {
    %c0_i32 = arith.constant 0 : i32
    %c0_i32_0 = arith.constant 0 : i32
    return %arg0, %c0_i32 : i32, i32
  }
  func.func @transform_4(%arg0: i32) -> (i32, i32, i32) {
    %c0_i32 = arith.constant 0 : i32
    %c0_i32_0 = arith.constant 0 : i32
    %c0_i32_1 = arith.constant 0 : i32
    return %c0_i32, %arg0, %c0_i32_0 : i32, i32, i32
  }
  func.func @transform_5(%arg0: i32) -> (i32, i32) {
    %c0_i32 = arith.constant 0 : i32
    %c0_i32_0 = arith.constant 0 : i32
    return %arg0, %c0_i32 : i32, i32
  }
}

module attributes {stable_mosaic.version = 14 : i64} {
  func.func @_tc_mid_body(%arg0: i32, %arg1: memref<2x2000x64xf32, #tpu.memory_space<vmem>>, %arg2: memref<2000x128xf32, #tpu.memory_space<vmem>>, %arg3: memref<2000x1xf32, #tpu.memory_space<vmem>>, %arg4: memref<1x128xf32, #tpu.memory_space<vmem>>, %arg5: memref<128x128xf32, #tpu.memory_space<vmem>>, %arg6: memref<1x1x2000xi32, #tpu.memory_space<vmem>>, %arg7: memref<128x2xf32, #tpu.memory_space<vmem>>, %arg8: memref<1x2xf32, #tpu.memory_space<vmem>>, %arg9: memref<2000x128xf32, #tpu.memory_space<vmem>>, %arg10: memref<2x2000x64xf32, #tpu.memory_space<vmem>>, %arg11: memref<64x2xf32, #tpu.memory_space<vmem>>, %arg12: memref<64x128xf32, #tpu.memory_space<vmem>>, %arg13: memref<64x1xf32, #tpu.memory_space<vmem>>) attributes {dimension_semantics = [#tpu.dimension_semantics<arbitrary>], iteration_bounds = array<i64: 5>, scalar_prefetch = 0 : i64, scratch_operands = 2 : i64, tpu.core_type = #tpu.core_type<tc>, window_params = [{transform_indices = @transform_0, window_bounds = array<i64: 2, 2000, 64>}, {transform_indices = @transform_1, window_bounds = array<i64: 2000, 128>}, {transform_indices = @transform_2, window_bounds = array<i64: 2000, 1>}, {pipeline_mode = #tpu.pipeline_mode<synchronous>, transform_indices = @transform_3, window_bounds = array<i64: 1, 128>}, {pipeline_mode = #tpu.pipeline_mode<synchronous>, transform_indices = @transform_4, window_bounds = array<i64: 128, 128>}, {transform_indices = @transform_5, window_bounds = array<i64: 1, 1, 2000>}, {pipeline_mode = #tpu.pipeline_mode<synchronous>, transform_indices = @transform_6, window_bounds = array<i64: 128, 2>}, {pipeline_mode = #tpu.pipeline_mode<synchronous>, transform_indices = @transform_7, window_bounds = array<i64: 1, 2>}, {transform_indices = @transform_8, window_bounds = array<i64: 2000, 128>}, {transform_indices = @transform_9, window_bounds = array<i64: 2, 2000, 64>}, {pipeline_mode = #tpu.pipeline_mode<synchronous>, transform_indices = @transform_10, window_bounds = array<i64: 64, 2>}]} {
    %eq3A = arith.constant 0 : i32
    %eq3A_0 = arith.cmpi eq, %arg0, %eq3A : i32
    %convert_element_type3A = arith.extui %eq3A_0 : i1 to i32
    %cond3A = arith.constant 0 : i32
    %cond3A_1 = arith.cmpi ne, %convert_element_type3A, %cond3A : i32
    scf.if %cond3A_1 {
      %broadcast_in_dim3A_80 = arith.constant 0.000000e+00 : f32
      %broadcast_in_dim3A_81 = vector.broadcast %broadcast_in_dim3A_80 : f32 to vector<64x128xf32>
      %swap3A_82 = arith.constant 0 : index
      %swap3A_83 = arith.constant 0 : index
      %swap3A_84 = vector.load %arg12[%swap3A_82, %swap3A_83] : memref<64x128xf32, #tpu.memory_space<vmem>>, vector<64x128xf32>
      tpu.vector_store %arg12[%swap3A_82, %swap3A_83], %broadcast_in_dim3A_81 {strides = array<i32>} : memref<64x128xf32, #tpu.memory_space<vmem>>, vector<64x128xf32>,
      %broadcast_in_dim3A_85 = arith.constant 0.000000e+00 : f32
      %broadcast_in_dim3A_86 = vector.broadcast %broadcast_in_dim3A_85 : f32 to vector<64x1xf32>
      %swap3A_87 = arith.constant 0 : index
      %swap3A_88 = arith.constant 0 : index
      %swap3A_89 = vector.load %arg13[%swap3A_87, %swap3A_88] : memref<64x1xf32, #tpu.memory_space<vmem>>, vector<64x1xf32>
      tpu.vector_store %arg13[%swap3A_87, %swap3A_88], %broadcast_in_dim3A_86 {strides = array<i32>} : memref<64x1xf32, #tpu.memory_space<vmem>>, vector<64x1xf32>,
    } else {
    }
    %get3A = arith.constant 0 : index
    %get3A_2 = arith.constant 0 : index
    %get3A_3 = vector.load %arg3[%get3A, %get3A_2] : memref<2000x1xf32, #tpu.memory_space<vmem>>, vector<2000x1xf32>
    %get3A_4 = arith.constant 0 : index
    %get3A_5 = arith.constant 0 : index
    %get3A_6 = arith.constant 0 : index
    %get3A_7 = vector.load %arg1[%get3A_4, %get3A_5, %get3A_6] : memref<2x2000x64xf32, #tpu.memory_space<vmem>>, vector<1x2000x64xf32>
    %get3A_8 = vector.shape_cast %get3A_7 : vector<1x2000x64xf32> to vector<2000x64xf32>
    %get3A_9 = arith.constant 1 : index
    %get3A_10 = arith.constant 0 : index
    %get3A_11 = arith.constant 0 : index
    %get3A_12 = vector.load %arg1[%get3A_9, %get3A_10, %get3A_11] : memref<2x2000x64xf32, #tpu.memory_space<vmem>>, vector<1x2000x64xf32>
    %get3A_13 = vector.shape_cast %get3A_12 : vector<1x2000x64xf32> to vector<2000x64xf32>
    %concatenate3A = tpu.concatenate %get3A_8, %get3A_13 in 1 : vector<2000x64xf32>, vector<2000x64xf32> -> vector<2000x128xf32>
    %mul3A = vector.broadcast %get3A_3 : vector<2000x1xf32> to vector<2000x128xf32>
    %mul3A_14 = arith.mulf %concatenate3A, %mul3A : vector<2000x128xf32>
    %get3A_15 = arith.constant 0 : index
    %get3A_16 = arith.constant 0 : index
    %get3A_17 = vector.load %arg2[%get3A_15, %get3A_16] : memref<2000x128xf32, #tpu.memory_space<vmem>>, vector<2000x128xf32>
    %mul3A_18 = arith.mulf %get3A_3, %get3A_3 : vector<2000x1xf32>
    %mul3A_19 = vector.broadcast %mul3A_18 : vector<2000x1xf32> to vector<2000x128xf32>
    %mul3A_20 = arith.mulf %get3A_17, %mul3A_19 : vector<2000x128xf32>
    %add3A = arith.addf %mul3A_14, %mul3A_20 : vector<2000x128xf32>
    %get3A_21 = arith.constant 0 : index
    %get3A_22 = arith.constant 0 : index
    %get3A_23 = vector.load %arg4[%get3A_21, %get3A_22] : memref<1x128xf32, #tpu.memory_space<vmem>>, vector<1x128xf32>
    %add3A_24 = vector.broadcast %get3A_23 : vector<1x128xf32> to vector<2000x128xf32>
    %add3A_25 = arith.addf %add3A, %add3A_24 : vector<2000x128xf32>
    %max3A = arith.constant 0.000000e+00 : f32
    %max3A_26 = vector.broadcast %max3A : f32 to vector<2000x128xf32>
    %max3A_27 = arith.maximumf %add3A_25, %max3A_26 : vector<2000x128xf32>
    %get3A_28 = arith.constant 0 : index
    %get3A_29 = arith.constant 0 : index
    %get3A_30 = vector.load %arg5[%get3A_28, %get3A_29] : memref<128x128xf32, #tpu.memory_space<vmem>>, vector<128x128xf32>
    %dot_general3A = arith.constant dense<0.000000e+00> : vector<2000x128xf32>
    %dot_general3A_31 = tpu.matmul %max3A_27, %get3A_30, %dot_general3A {dimension_numbers = #tpu.dot_dimension_numbers<[1], [0], [0], [1], [0, 0, 1, 1], [], []>, transpose_lhs_hint = false} : vector<2000x128xf32>, vector<128x128xf32>, vector<2000x128xf32> -> vector<2000x128xf32>
    %swap3A = arith.constant 0 : index
    %swap3A_32 = arith.constant 0 : index
    %swap3A_33 = vector.load %arg9[%swap3A, %swap3A_32] : memref<2000x128xf32, #tpu.memory_space<vmem>>, vector<2000x128xf32>
    tpu.vector_store %arg9[%swap3A, %swap3A_32], %dot_general3A_31 {strides = array<i32>} : memref<2000x128xf32, #tpu.memory_space<vmem>>, vector<2000x128xf32>,
    %mul3A_34 = vector.broadcast %get3A_3 : vector<2000x1xf32> to vector<2000x128xf32>
    %mul3A_35 = arith.mulf %dot_general3A_31, %mul3A_34 : vector<2000x128xf32>
    %slice3A = vector.extract_strided_slice %mul3A_35 {offsets = [0, 0], sizes = [2000, 64], strides = [1, 1]} : vector<2000x128xf32> to vector<2000x64xf32>
    %swap3A_36 = arith.constant 0 : index
    %swap3A_37 = arith.constant 0 : index
    %swap3A_38 = arith.constant 0 : index
    %swap3A_39 = vector.load %arg10[%swap3A_36, %swap3A_37, %swap3A_38] : memref<2x2000x64xf32, #tpu.memory_space<vmem>>, vector<1x2000x64xf32>
    %swap3A_40 = vector.shape_cast %swap3A_39 : vector<1x2000x64xf32> to vector<2000x64xf32>
    %swap3A_41 = vector.shape_cast %slice3A : vector<2000x64xf32> to vector<1x2000x64xf32>
    tpu.vector_store %arg10[%swap3A_36, %swap3A_37, %swap3A_38], %swap3A_41 {strides = array<i32>} : memref<2x2000x64xf32, #tpu.memory_space<vmem>>, vector<1x2000x64xf32>,
    %slice3A_42 = vector.extract_strided_slice %mul3A_35 {offsets = [0, 64], sizes = [2000, 64], strides = [1, 1]} : vector<2000x128xf32> to vector<2000x64xf32>
    %swap3A_43 = arith.constant 1 : index
    %swap3A_44 = arith.constant 0 : index
    %swap3A_45 = arith.constant 0 : index
    %swap3A_46 = vector.load %arg10[%swap3A_43, %swap3A_44, %swap3A_45] : memref<2x2000x64xf32, #tpu.memory_space<vmem>>, vector<1x2000x64xf32>
    %swap3A_47 = vector.shape_cast %swap3A_46 : vector<1x2000x64xf32> to vector<2000x64xf32>
    %swap3A_48 = vector.shape_cast %slice3A_42 : vector<2000x64xf32> to vector<1x2000x64xf32>
    tpu.vector_store %arg10[%swap3A_43, %swap3A_44, %swap3A_45], %swap3A_48 {strides = array<i32>} : memref<2x2000x64xf32, #tpu.memory_space<vmem>>, vector<1x2000x64xf32>,
    %iota3A = tpu.iota {dimensions = array<i32: 0>} : vector<64x2000xi32>
    %get3A_49 = arith.constant 0 : index
    %get3A_50 = arith.constant 0 : index
    %get3A_51 = arith.constant 0 : index
    %get3A_52 = vector.load %arg6[%get3A_49, %get3A_50, %get3A_51] : memref<1x1x2000xi32, #tpu.memory_space<vmem>>, vector<1x1x2000xi32>
    %get3A_53 = vector.shape_cast %get3A_52 : vector<1x1x2000xi32> to vector<1x2000xi32>
    %eq3A_54 = vector.broadcast %get3A_53 : vector<1x2000xi32> to vector<64x2000xi32>
    %eq3A_55 = arith.cmpi eq, %iota3A, %eq3A_54 : vector<64x2000xi32>
    %convert_element_type3A_56 = arith.extui %eq3A_55 : vector<64x2000xi1> to vector<64x2000xi32>
    %convert_element_type3A_57 = arith.sitofp %convert_element_type3A_56 : vector<64x2000xi32> to vector<64x2000xf32>
    %get3A_58 = arith.constant 0 : index
    %get3A_59 = arith.constant 0 : index
    %get3A_60 = vector.load %arg12[%get3A_58, %get3A_59] : memref<64x128xf32, #tpu.memory_space<vmem>>, vector<64x128xf32>
    %dot_general3A_61 = arith.constant dense<0.000000e+00> : vector<64x128xf32>
    %dot_general3A_62 = tpu.matmul %convert_element_type3A_57, %max3A_27, %dot_general3A_61 {dimension_numbers = #tpu.dot_dimension_numbers<[1], [0], [0], [1], [0, 0, 1, 1], [], []>, transpose_lhs_hint = false} : vector<64x2000xf32>, vector<2000x128xf32>, vector<64x128xf32> -> vector<64x128xf32>
    %add3A_63 = arith.addf %get3A_60, %dot_general3A_62 : vector<64x128xf32>
    %swap3A_64 = arith.constant 0 : index
    %swap3A_65 = arith.constant 0 : index
    %swap3A_66 = vector.load %arg12[%swap3A_64, %swap3A_65] : memref<64x128xf32, #tpu.memory_space<vmem>>, vector<64x128xf32>
    tpu.vector_store %arg12[%swap3A_64, %swap3A_65], %add3A_63 {strides = array<i32>} : memref<64x128xf32, #tpu.memory_space<vmem>>, vector<64x128xf32>,
    %get3A_67 = arith.constant 0 : index
    %get3A_68 = arith.constant 0 : index
    %get3A_69 = vector.load %arg13[%get3A_67, %get3A_68] : memref<64x1xf32, #tpu.memory_space<vmem>>, vector<64x1xf32>
    %reduce_sum3A = arith.constant dense<0.000000e+00> : vector<64xf32>
    %reduce_sum3A_70 = vector.multi_reduction <add>, %convert_element_type3A_57, %reduce_sum3A [1] : vector<64x2000xf32> to vector<64xf32>
    %broadcast_in_dim3A = vector.shape_cast %reduce_sum3A_70 : vector<64xf32> to vector<64x1xf32>
    %add3A_71 = arith.addf %get3A_69, %broadcast_in_dim3A : vector<64x1xf32>
    %swap3A_72 = arith.constant 0 : index
    %swap3A_73 = arith.constant 0 : index
    %swap3A_74 = vector.load %arg13[%swap3A_72, %swap3A_73] : memref<64x1xf32, #tpu.memory_space<vmem>>, vector<64x1xf32>
    tpu.vector_store %arg13[%swap3A_72, %swap3A_73], %add3A_71 {strides = array<i32>} : memref<64x1xf32, #tpu.memory_space<vmem>>, vector<64x1xf32>,
    %eq3A_75 = arith.constant 4 : i32
    %eq3A_76 = arith.cmpi eq, %arg0, %eq3A_75 : i32
    %convert_element_type3A_77 = arith.extui %eq3A_76 : i1 to i32
    %cond3A_78 = arith.constant 0 : i32
    %cond3A_79 = arith.cmpi ne, %convert_element_type3A_77, %cond3A_78 : i32
    scf.if %cond3A_79 {
      %get3A_80 = arith.constant 0 : index
      %get3A_81 = arith.constant 0 : index
      %get3A_82 = vector.load %arg12[%get3A_80, %get3A_81] : memref<64x128xf32, #tpu.memory_space<vmem>>, vector<64x128xf32>
      %get3A_83 = arith.constant 0 : index
      %get3A_84 = arith.constant 0 : index
      %get3A_85 = vector.load %arg13[%get3A_83, %get3A_84] : memref<64x1xf32, #tpu.memory_space<vmem>>, vector<64x1xf32>
      %max3A_86 = arith.constant 1.000000e+00 : f32
      %max3A_87 = vector.broadcast %max3A_86 : f32 to vector<64x1xf32>
      %max3A_88 = arith.maximumf %get3A_85, %max3A_87 : vector<64x1xf32>
      %div3A = vector.broadcast %max3A_88 : vector<64x1xf32> to vector<64x128xf32>
      %div3A_89 = arith.divf %get3A_82, %div3A : vector<64x128xf32>
      %get3A_90 = arith.constant 0 : index
      %get3A_91 = arith.constant 0 : index
      %get3A_92 = vector.load %arg7[%get3A_90, %get3A_91] : memref<128x2xf32, #tpu.memory_space<vmem>>, vector<128x2xf32>
      %dot_general3A_93 = arith.constant dense<0.000000e+00> : vector<64x2xf32>
      %dot_general3A_94 = tpu.matmul %div3A_89, %get3A_92, %dot_general3A_93 {dimension_numbers = #tpu.dot_dimension_numbers<[1], [0], [0], [1], [0, 0, 1, 1], [], []>, transpose_lhs_hint = false} : vector<64x128xf32>, vector<128x2xf32>, vector<64x2xf32> -> vector<64x2xf32>
      %get3A_95 = arith.constant 0 : index
      %get3A_96 = arith.constant 0 : index
      %get3A_97 = vector.load %arg8[%get3A_95, %get3A_96] : memref<1x2xf32, #tpu.memory_space<vmem>>, vector<1x2xf32>
      %add3A_98 = vector.broadcast %get3A_97 : vector<1x2xf32> to vector<64x2xf32>
      %add3A_99 = arith.addf %dot_general3A_94, %add3A_98 : vector<64x2xf32>
      %reduce_max3A = arith.constant dense<0xFF800000> : vector<64xf32>
      %reduce_max3A_100 = vector.multi_reduction <maximumf>, %add3A_99, %reduce_max3A [1] : vector<64x2xf32> to vector<64xf32>
      %broadcast_in_dim3A_101 = vector.shape_cast %reduce_max3A_100 : vector<64xf32> to vector<64x1xf32>
      %sub3A = vector.broadcast %broadcast_in_dim3A_101 : vector<64x1xf32> to vector<64x2xf32>
      %sub3A_102 = arith.subf %add3A_99, %sub3A : vector<64x2xf32>
      %exp3A = math.exp %sub3A_102 : vector<64x2xf32>
      %reduce_sum3A_103 = arith.constant dense<0.000000e+00> : vector<64xf32>
      %reduce_sum3A_104 = vector.multi_reduction <add>, %exp3A, %reduce_sum3A_103 [1] : vector<64x2xf32> to vector<64xf32>
      %broadcast_in_dim3A_105 = vector.shape_cast %reduce_sum3A_104 : vector<64xf32> to vector<64x1xf32>
      %log3A = math.log %broadcast_in_dim3A_105 : vector<64x1xf32>
      %sub3A_106 = vector.broadcast %log3A : vector<64x1xf32> to vector<64x2xf32>
      %sub3A_107 = arith.subf %sub3A_102, %sub3A_106 : vector<64x2xf32>
      %swap3A_108 = arith.constant 0 : index
      %swap3A_109 = arith.constant 0 : index
      %swap3A_110 = vector.load %arg11[%swap3A_108, %swap3A_109] : memref<64x2xf32, #tpu.memory_space<vmem>>, vector<64x2xf32>
      tpu.vector_store %arg11[%swap3A_108, %swap3A_109], %sub3A_107 {strides = array<i32>} : memref<64x2xf32, #tpu.memory_space<vmem>>, vector<64x2xf32>,
    } else {
    }
    return
  }
  func.func @transform_0(%arg0: i32) -> (i32, i32, i32) {
    %c0_i32 = arith.constant 0 : i32
    %c0_i32_0 = arith.constant 0 : i32
    %c0_i32_1 = arith.constant 0 : i32
    return %c0_i32, %arg0, %c0_i32_0 : i32, i32, i32
  }
  func.func @transform_1(%arg0: i32) -> (i32, i32) {
    %c0_i32 = arith.constant 0 : i32
    %c0_i32_0 = arith.constant 0 : i32
    return %arg0, %c0_i32 : i32, i32
  }
  func.func @transform_2(%arg0: i32) -> (i32, i32) {
    %c0_i32 = arith.constant 0 : i32
    %c0_i32_0 = arith.constant 0 : i32
    return %arg0, %c0_i32 : i32, i32
  }
  func.func @transform_3(%arg0: i32) -> (i32, i32) {
    %c0_i32 = arith.constant 0 : i32
    %c0_i32_0 = arith.constant 0 : i32
    %c0_i32_1 = arith.constant 0 : i32
    return %c0_i32, %c0_i32_0 : i32, i32
  }
  func.func @transform_4(%arg0: i32) -> (i32, i32) {
    %c0_i32 = arith.constant 0 : i32
    %c0_i32_0 = arith.constant 0 : i32
    %c0_i32_1 = arith.constant 0 : i32
    return %c0_i32, %c0_i32_0 : i32, i32
  }
  func.func @transform_5(%arg0: i32) -> (i32, i32, i32) {
    %c0_i32 = arith.constant 0 : i32
    %c0_i32_0 = arith.constant 0 : i32
    %c0_i32_1 = arith.constant 0 : i32
    return %arg0, %c0_i32, %c0_i32_0 : i32, i32, i32
  }
  func.func @transform_6(%arg0: i32) -> (i32, i32) {
    %c0_i32 = arith.constant 0 : i32
    %c0_i32_0 = arith.constant 0 : i32
    %c0_i32_1 = arith.constant 0 : i32
    return %c0_i32, %c0_i32_0 : i32, i32
  }
  func.func @transform_7(%arg0: i32) -> (i32, i32) {
    %c0_i32 = arith.constant 0 : i32
    %c0_i32_0 = arith.constant 0 : i32
    %c0_i32_1 = arith.constant 0 : i32
    return %c0_i32, %c0_i32_0 : i32, i32
  }
  func.func @transform_8(%arg0: i32) -> (i32, i32) {
    %c0_i32 = arith.constant 0 : i32
    %c0_i32_0 = arith.constant 0 : i32
    return %arg0, %c0_i32 : i32, i32
  }
  func.func @transform_9(%arg0: i32) -> (i32, i32, i32) {
    %c0_i32 = arith.constant 0 : i32
    %c0_i32_0 = arith.constant 0 : i32
    %c0_i32_1 = arith.constant 0 : i32
    return %c0_i32, %arg0, %c0_i32_0 : i32, i32, i32
  }
  func.func @transform_10(%arg0: i32) -> (i32, i32) {
    %c0_i32 = arith.constant 0 : i32
    %c0_i32_0 = arith.constant 0 : i32
    %c0_i32_1 = arith.constant 0 : i32
    return %c0_i32, %c0_i32_0 : i32, i32
  }
}

</mosaic_0001>

<sc_bundles>
// kernel: closed_call.19.cloned.1.call-start
scs
__scs_entry_jumppad:
0x0: {  	(pc) =	sbr.rel $0x88, $3  }
0x1: {  	(tag) =	ssettag $0x0;
	lr =	simm.s32 $0x1  }
0x2: {  	[smem:$0x3F98] =	sst lr;
	_ =	strace $0xD0000000  }
0x3: {  	_ = 	snop  }
0x4: {  	_ = 	snop  }
0x5: {  	_ = 	snop  }
0x6: {  	_ = 	snop  }
0x7: {  	_ = 	snop  }
__scs_overlays_trampoline_lowered:
0x8: {  	[smem:$0x3FA7] =	sst s0  }
0x9: {  	[smem:$0x3FA8] =	sst s1  }
0xa: {  	[smem:$0x3FA9] =	sst s2  }
0xb: {  	[smem:$0x3FAA] =	sst s3  }
0xc: {  	[smem:$0x3FAB] =	sst s4  }
0xd: {  	[smem:$0x3FAC] =	sst s5  }
0xe: {  	[smem:$0x3FAD] =	sst s6  }
0xf: {  	[smem:$0x3FAE] =	sst s7  }
0x10: {  	[smem:$0x3FAF] =	sst s8  }
0x11: {  	[smem:$0x3FB0] =	sst s9;
	s0 =	simm.s32 @!p0 $0x0  }
0x12: {  	s1 =	sld [smem:$0x3F96];
	s0 =	simm.s32 @p0 $0x1  }
0x13: {  	[smem:$0x3FB1] =	sst s0;
	s0 =	simm.s32 @!p1 $0x0  }
0x14: {  	s2 =	sld [smem:$0x3F95];
	s0 =	simm.s32 @p1 $0x1  }
0x15: {  	[smem:$0x3FB2] =	sst s0;
	s0 =	simm.s32 @!p2 $0x0  }
0x16: {  	s3 =	sld [smem:$0x3FDB];
	s0 =	simm.s32 @p2 $0x1  }
0x17: {  	s4 =	simm.s32 $0x1BF5;
	[smem:$0x3FB4] =	sst s0  }
0x18: {  	s0 =	sld [smem:$0x3F97];
	_ =	swait.ge [sflag:s4], $0x0  }
0x19: {  	s7 =	sld [smem:$0x3F98]  }
0x1a: {  	s8 =	sadd.s32 $0xFFFFE003, lr  }
0x1b: {  	s9 =	sadd.s32 $0xFFFFFEF7, lr;
	s5 =	simm.s32 $0xFFFFFFFF;
	p2 =	slt.u32 s8, $0xFFFFF086  }
0x1c: {  	p1 =	slt.u32 s9, $0xF7A;
	s5 =	simm.s32 @!p2 $0x0  }
0x1d: {  	s5 =	simm.s32 @p1 $0x1;
	p0 =	seq.s32 s7, s2  }
0x1e: {  	s7 =	smul.u32 @!p0 $0xF7A, s2;
	p2 =	seq.s32 @!p0 s5, $0x0  }
0x1f: {  	s9 =	smul.u32 $0xF7A, s1;
	s8 =	simm.s32 @!p0 $0x1BF5;
	p2 =	por !p2, p0  }
0x20: {  	[sflag:s8] =	ssyncset.s32 @!p0 $0xFFFFF086;
	s6 =	sadd.s32 @!p0 s3, s7;
	s7 =	simm.s32 @!p0 $0x108  }
0x21: {  	s3 =	sadd.s32 s3, s9;
	s6 =	sadd.s32 @!p0 $0x88, s6;
	s7 =	simm.s32 @p2 $0x1082  }
0x22: {  	[simem:s7], [sflag:s8] =	dma.local @!p0 [hbm:s6], $0xF7A  }
0x23: {  	s9 =	sor.u32 $0xD0000000, s2;
	s6 =	simm.s32 $0x108;
	_ =	swait.ge @!p0 [sflag:s8], $0x0  }
0x24: {  	s3 =	sadd.s32 $0x88, s3;
	s6 =	simm.s32 @!p1 $0x1082;
	[sflag:s4] =	ssyncset.s32 $0xFFFFF086  }
0x25: {  	[simem:s6], [sflag:s4] =	dma.local [hbm:s3], $0xF7A  }
0x26: {  	[smem:$0x3F98] =	sst s1;
	(tag) =	ssettag s2;
	_ =	strace s9  }
0x27: {  	s1 =	sld [smem:$0x3FA8]  }
0x28: {  	s2 =	sld [smem:$0x3FA9]  }
0x29: {  	s4 =	sld [smem:$0x3FAB]  }
0x2a: {  	p0 =	seq.s32 s5, $0x0;
	s5 =	sld [smem:$0x3FAC]  }
0x2b: {  	s6 =	sld [smem:$0x3FAD]  }
0x2c: {  	s7 =	sld [smem:$0x3FAE]  }
0x2d: {  	s3 =	simm.s32 $0x108;
	s8 =	sld [smem:$0x3FAF]  }
0x2e: {  	s3 =	simm.s32 @!p0 $0x1082;
	s9 =	sld [smem:$0x3FB0]  }
0x2f: {  	lr =	sadd.s32 s0, s3;
	s0 =	sld [smem:$0x3FA7]  }
0x30: {  	s3 =	sld [smem:$0x3FAA]  }
0x31: {  	[smem:$0x3FB3] =	sst s10  }
0x32: {  	s10 =	sld [smem:$0x3FB1];
	_ =	sdelay $0x3  }
0x33: {  	p0 =	seq.s32 s10, $0x1;
	s10 =	sld [smem:$0x3FB3];
	_ =	sdelay $0x3  }
0x34: {  	[smem:$0x3FB3] =	sst s10  }
0x35: {  	s10 =	sld [smem:$0x3FB2];
	_ =	sdelay $0x3  }
0x36: {  	p1 =	seq.s32 s10, $0x1;
	s10 =	sld [smem:$0x3FB3];
	_ =	sdelay $0x3  }
0x37: {  	[smem:$0x3FB3] =	sst s10  }
0x38: {  	s10 =	sld [smem:$0x3FB4]  }
0x39: {  	_ = 	snop;
	(pc) =	sbr.ind lr, $3  }
0x3a: {  	_ = 	snop  }
0x3b: {  	_ = 	snop  }
0x3c: {  	p2 =	seq.s32 s10, $0x1;
	s10 =	sld [smem:$0x3FB3]  }
0x3d: {  	_ =	shalt  }
0x3e: {  	_ =	shalt  }
0x3f: {  	_ =	shalt  }
0x40: {  	_ =	shalt  }
0x41: {  	_ =	shalt  }
0x42: {  	_ =	shalt  }
0x43: {  	_ =	shalt  }
0x44: {  	_ =	shalt  }
0x45: {  	_ =	shalt  }
0x46: {  	_ =	shalt  }
0x47: {  	_ =	shalt  }
0x48: {  	_ =	shalt  }
0x49: {  	_ =	shalt  }
0x4a: {  	_ =	shalt  }
0x4b: {  	_ =	shalt  }
0x4c: {  	_ =	shalt  }
0x4d: {  	_ =	shalt  }
0x4e: {  	_ =	shalt  }
0x4f: {  	_ =	shalt  }
0x50: {  	_ =	shalt  }
0x51: {  	_ =	shalt  }
0x52: {  	_ =	shalt  }
0x53: {  	_ =	shalt  }
0x54: {  	_ =	shalt  }
0x55: {  	_ =	shalt  }
0x56: {  	_ =	shalt  }
0x57: {  	_ =	shalt  }
0x58: {  	_ =	shalt  }
0x59: {  	_ =	shalt  }
0x5a: {  	_ =	shalt  }
0x5b: {  	_ =	shalt  }
0x5c: {  	_ =	shalt  }
0x5d: {  	_ =	shalt  }
0x5e: {  	_ =	shalt  }
0x5f: {  	_ =	shalt  }
0x60: {  	_ =	shalt  }
0x61: {  	_ =	shalt  }
0x62: {  	_ =	shalt  }
0x63: {  	_ =	shalt  }
0x64: {  	_ =	shalt  }
0x65: {  	_ =	shalt  }
0x66: {  	_ =	shalt  }
0x67: {  	_ =	shalt  }
0x68: {  	_ =	shalt  }
0x69: {  	_ =	shalt  }
0x6a: {  	_ =	shalt  }
0x6b: {  	_ =	shalt  }
0x6c: {  	_ =	shalt  }
0x6d: {  	_ =	shalt  }
0x6e: {  	_ =	shalt  }
0x6f: {  	_ =	shalt  }
0x70: {  	_ =	shalt  }
0x71: {  	_ =	shalt  }
0x72: {  	_ =	shalt  }
0x73: {  	_ =	shalt  }
0x74: {  	_ =	shalt  }
0x75: {  	_ =	shalt  }
0x76: {  	_ =	shalt  }
0x77: {  	_ =	shalt  }
0x78: {  	_ =	shalt  }
0x79: {  	_ =	shalt  }
0x7a: {  	_ =	shalt  }
0x7b: {  	_ =	shalt  }
0x7c: {  	_ =	shalt  }
0x7d: {  	_ =	shalt  }
0x7e: {  	_ =	shalt  }
0x7f: {  	_ =	shalt  }
0x80: {  	_ =	shalt  }
0x81: {  	_ =	shalt  }
0x82: {  	_ =	shalt  }
0x83: {  	_ =	shalt  }
0x84: {  	_ =	shalt  }
0x85: {  	_ =	shalt  }
0x86: {  	_ =	shalt  }
0x87: {  	_ =	shalt  }
.Lfunc_end0:
.L_simem_size_0:
called_computation_lowered:
.L_overlay_start_0:
0x88: {  	s2 =	sld [smem:$0x3FD9]  }
0x89: {  	s3 =	sld [smem:$0x3FFE];
	_ =	sdelay $0x1  }
0x8a: {  	s1 =	srdreg.scid  }
0x8b: {  	s0 =	sand.u32 $0x1, s1  }
0x8c: {  	s16 =	sshll.u32 s0, $0xA;
	s2 =	sadd.s32 s3, s2  }
0x8d: {  	s2 =	sadd.s32 s2, s16  }
0x8e: {  	[smem:$0x3FBF] =	sst s2  }
0x8f: {  	_ = 	snop  }
0x90: {  	(tm) =	ssettm $0x1  }
0x91: {  	s17 =	sld [smem:$0x3FFB];
	_ =	sdelay $0x3  }
0x92: {  	_ =	strace s17  }
0x93: {  	s2 =	sld [smem:$0x3FFC];
	_ =	sdelay $0x3  }
0x94: {  	_ =	strace s2  }
0x95: {  	s2 =	sld [smem:$0x3FFD];
	_ =	sdelay $0x3  }
0x96: {  	_ =	strace s2  }
0x97: {  	_ =	strace $0x8FFFFFFF  }
0x98: {  	s18 =	sld [smem:$0x3FDB];
	_ =	sdelay $0x1  }
0x99: {  	s19 =	simm.s32 $_scs_section_size  }
0x9a: {  	s4 =	simm.s32 $_size__tile_overlayer_lowered;
	s5 =	simm.s32 $_tile_overlayer_lowered  }
0x9b: {  	s22 =	simm.s32 $0x1BFF;
	s21 =	sshll.u32 s5, $0x1;
	s2 =	sadd.s32 s19, s18  }
0x9c: {  	s6 =	simm.s32 $0x0;
	s20 =	sshll.u32 s4, $0x1;
	s4 =	sadd.s32 s21, s2  }
0x9d: {  	[timem:s6], [sflag:s22] =	dma.local [hbm:s4], s20  }
0x9e: {  	_ =	swait.ge [sflag:s22], s20  }
0x9f: {  	s3 =	ssub.s32 $0x0, s20;
	[sflag:s22] =	ssyncset.done $0x0  }
0xa0: {  	[sflag:s22] =	ssyncadd.s32 s3;
	_ =	sdelay $0x1  }
0xa1: {  	s23 =	simm.s32 $0x1B8B  }
0xa2: {  	_ =	swait.ge [sflag:s23], $0x1  }
0xa3: {  	[sflag:s23] =	ssyncset.done $0x0  }
0xa4: {  	s25 =	simm.s32 $0x1B8E;
	s24 =	sld [smem:$0x3FFE];
	[sflag:s23] =	ssyncadd.s32 $0xFFFFFFFF  }
0xa5: {  	s26 =	simm.s32 $execute0_lowered;
	[smem:$0x3FD2] =	sst s25  }
0xa6: {  	s4 =	sshll.u32 s26, $0x1;
	_ =	strace $0x80000049;
	[dreg:$0x1] =	wrdreg $0xFFFFFFFF  }
0xa7: {  	s28 =	simm.s32 $_size_execute0_lowered;
	s2 =	sadd.s32 s2, s4;
	[dreg:$0x0] =	wrdreg $0x0  }
0xa8: {  	s4 =	sshll.u32 s28, $0x1;
	[dreg:$0x2] =	wrdreg s2  }
0xa9: {  	[dreg:$0x3] =	wrdreg s4  }
0xaa: {  	[dreg:$0x4] =	wrdreg $0xC0  }
0xab: {  	_ =	task [dreg:s6], $0x5FFFF  }
0xac: {  	[dreg:$0x1] =	wrdreg $0xFFFFFFFF  }
0xad: {  	[dreg:$0x0] =	wrdreg $0x60  }
0xae: {  	[dreg:$0x2] =	wrdreg s24  }
0xaf: {  	[dreg:$0x3] =	wrdreg $0x157000  }
0xb0: {  	[dreg:$0x4] =	wrdreg $0x9  }
0xb1: {  	_ =	task.clear_ibuf [dreg:s6], $0x5FFFF;
	_ =	strace $0x90000049  }
0xb2: {  	s29 =	simm.s32 $0x9;
	_ =	strace $0x8000004B  }
0xb3: {  	_ =	swait.ge [sflag:s29], $0x1  }
0xb4: {  	[sflag:s29] =	ssyncadd.s32 $0xFFFFFFFF  }
0xb5: {  	_ =	strace $0x9000004B  }
0xb6: {  	_ =	sfence  }
0xb7: {  	s30 =	sld [smem:$0x0];
	_ =	sdelay $0x2  }
0xb8: {  	s31 =	sshll.u32 s1, $0xD;
	s1 =	sshrl.u32 s1, $0x2  }
0xb9: {  	s3 =	sand.u32 $0x4000, s31;
	s1 =	sadd.s32 s1, s30  }
0xba: {  	s0 =	sor.u32 s3, s0;
	s1 =	sshll.u32 s1, $0x11  }
0xbb: {  	s0 =	sor.u32 s1, s0  }
0xbc: {  	s0 =	sadd.s32 $0x8F2B, s0  }
0xbd: {  	[sflag:s0] =	ssyncadd.remote.s32 $0x1  }
0xbe: {  	_ =	sfence.sel $0xFFFF  }
0xbf: {  	[dreg:$0x0] =	wrdreg $0xFFFFFFFF;
	(pc) =	sbr.abs _section_cstart, $3  }
0xc0: {  	[dreg:$0x1] =	wrdreg $0xFFFFFFFF  }
0xc1: {  	_ =	task.clear_ibuf [dreg:s6], $0x2FFFF;
	_ =	strace $0x9FFFFFFF  }
0xc2: {  	(tm) =	ssettm $0x7FFFFFFF  }
0xc3: {  	_ =	shalt  }
tec
execute0_lowered:
.L_overlay_start_1:
0x0: {  	(tag) =	ssettag $0x1  }
0x1: {  	s4 =	rddreg [dreg:$0x0]  }
0x2: {  	s0 =	srdreg.scid;
	s1 =	rddreg [dreg:$0x1]  }
0x3: {  	s5 =	stileid.u32;
	s2 =	simm.s32 $0x0;
	s28 =	simm.s32 $0x9D00  }
0x4: {  	s29 =	simm.s32 $0x8;
	s30 =	simm.s32 $0x9;
	s31 =	simm.s32 $0xA  }
0x5: {  	s21 =	simm.s32 $0xB;
	s0 =	sand.u32 $0x1, s0;
	s7 =	smul.u32 $0x9D0, s5  }
0x6: {  	[smem:$0x7FF] =	sst s2;
	s11 =	smul.u32 $0x9C00, s5;
	s12 =	sadd.s32 $0x9C000, s1  }
0x7: {  	p0 =	sne.s32 s5, $0x0;
	s3 =	sshll.u32 s0, $0x4;
	_ =	strace $0x8000004A  }
0x8: {  	s8 =	ssub.s32 $0x2, s0;
	s0 =	smul.u32 $0x9C400, s0;
	s3 =	sor.u32 s5, s3  }
0x9: {  	s7 =	sadd.s32 s7, s4;
	s9 =	sshrl.u32 s8, $0x1;
	s14 =	sadd.s32 $0x1A00, s11  }
0xa: {  	s15 =	sadd.s32 $0x3400, s11;
	s16 =	sadd.s32 $0x4E00, s11;
	s17 =	sadd.s32 $0x6800, s11  }
0xb: {  	s18 =	sadd.s32 $0x8200, s11;
	s6 =	smul.u32 $0x9D0, s3;
	s3 =	sadd.s32 $0x93800, s4  }
0xc: {  	s13 =	ssub.s32 s8, s9;
	s22 =	sadd.s32 $0x3000, s7;
	s7 =	sadd.s32 s14, s1  }
0xd: {  	s8 =	sadd.s32 s15, s1;
	s9 =	sadd.s32 s16, s1;
	s10 =	sadd.s32 s17, s1  }
0xe: {  	s19 =	sadd.s32 s11, s0;
	s14 =	sadd.s32 s0, s14;
	s15 =	sadd.s32 s0, s15  }
0xf: {  	s16 =	sadd.s32 s0, s16;
	s25 =	sadd.s32 s0, s17;
	s26 =	sadd.s32 s0, s18  }
0x10: {  	s0 =	sshrl.u32 s0, $0x3;
	[dreg:$0x4] =	wrdreg s22;
	s19 =	sshrl.u32 s19, $0x3  }
0x11: {  	s14 =	sshrl.u32 s14, $0x3;
	s15 =	sshrl.u32 s15, $0x3;
	s24 =	sshrl.u32 s16, $0x3  }
0x12: {  	s20 =	smax.u32 s13, $0x1;
	s6 =	sadd.s32 s6, s4;
	s4 =	sadd.s32 $0xBAA00, s4  }
0x13: {  	s22 =	simm.s32 $0x13D00;
	s6 =	sadd.s32 $0x7FE00, s6;
	s19 =	sadd.s32 s4, s19  }
0x14: {  	s14 =	sadd.s32 s4, s14;
	s23 =	sadd.s32 s4, s15;
	[dreg:$0x3] =	wrdreg s6  }
0x15: {  	s15 =	sshrl.u32 s26, $0x3;
	s0 =	sadd.s32 s4, s0;
	[dreg:$0x5] =	wrdreg s19  }
0x16: {  	s26 =	simm.s32 $0x80;
	s6 =	sadd.s32 s11, s1;
	[dreg:$0x6] =	wrdreg s14  }
.Ltmp0:
0x17: {  	s11 =	sadd.s32 s18, s1;
	[dreg:$0x7] =	wrdreg s23;
	(pc) =	sbr.rel .LBB2_1-.Ltmp0, $4  }
0x18: {  	s14 =	sadd.s32 s4, s24;
	s18 =	sadd.s32 s4, s15;
	s19 =	sadd.s32 $0x13800, s0  }
0x19: {  	s23 =	simm.s32 $0x6;
	[dreg:$0x8] =	wrdreg s14;
	s14 =	sshrl.u32 s25, $0x3  }
0x1a: {  	s24 =	simm.s32 $0x1;
	s0 =	simm.s32 $0x7;
	s14 =	sadd.s32 s4, s14  }
0x1b: {  	v0 =	vimm.f32 $0.0e+00;
	s25 =	simm.s32 $0x2;
	s4 =	simm.s32 $0x0;
	[dreg:$0x9] =	wrdreg s14  }
.LBB2_8:
0x1c: {  	_ =	swait.ge [sflag:s29], $0x2000  }
0x1d: {  	[sflag:s29] =	ssyncset.done $0x0  }
0x1e: {  	[sflag:s29] =	ssyncadd.s32 $0xFFFFE000  }
0x1f: {  	_ =	swait.ge [sflag:s30], $0x2000  }
0x20: {  	[sflag:s30] =	ssyncset.done $0x0  }
0x21: {  	[sflag:s30] =	ssyncadd.s32 $0xFFFFE000  }
0x22: {  	_ =	swait.ge [sflag:s31], $0x2000  }
0x23: {  	[sflag:s31] =	ssyncset.done $0x0  }
0x24: {  	[sflag:s31] =	ssyncadd.s32 $0xFFFFE000  }
0x25: {  	_ =	swait.ge [sflag:s23], $0x2000  }
0x26: {  	[sflag:s23] =	ssyncset.done $0x0  }
0x27: {  	[sflag:s23] =	ssyncadd.s32 $0xFFFFE000  }
0x28: {  	_ =	swait.ge [sflag:s0], $0x2000  }
0x29: {  	[sflag:s0] =	ssyncset.done $0x0  }
0x2a: {  	[sflag:s0] =	ssyncadd.s32 $0xFFFFE000  }
0x2b: {  	[bflag:$0x0] =	sbarrier.arrive $0xFFFF  }
0x2c: {  	[tilespmem:s22], [sflag:$0xB] =	stream.linear.gather [spmem:s6], $0x1A00, $0x38;
	[tilespmem:$0x1F360] =	vst v63  }
0x2d: {  	_ =	swait.ge [sflag:s21], $0x1A00  }
0x2e: {  	[sflag:s21] =	ssyncset.done $0x0  }
0x2f: {  	s5 =	rddreg [dreg:$0x5];
	[sflag:s21] =	ssyncadd.s32 $0xFFFFE600  }
0x30: {  	[hbm4b:s5+s2] =	stream.linear.scatter [tilespmem:s22], [sflag:$0x7], $0x1A00, $0x38;
	[tilespmem:$0x1F360] =	vst v63  }
0x31: {  	_ = 	snop  }
0x32: {  	[tilespmem:s28], [sflag:$0xB] =	stream.linear.gather [spmem:s7], $0x1A00, $0x38;
	[tilespmem:$0x1F360] =	vst v63  }
0x33: {  	_ =	swait.ge [sflag:s21], $0x1A00  }
0x34: {  	[sflag:s21] =	ssyncset.done $0x0  }
0x35: {  	s14 =	rddreg [dreg:$0x6];
	[sflag:s21] =	ssyncadd.s32 $0xFFFFE600  }
0x36: {  	[hbm4b:s14+s2] =	stream.linear.scatter [tilespmem:s28], [sflag:$0x8], $0x1A00, $0x38;
	[tilespmem:$0x1F360] =	vst v63  }
0x37: {  	_ =	swait.ge [sflag:s0], $0x1A00  }
0x38: {  	[sflag:s0] =	ssyncset.done $0x0  }
0x39: {  	[sflag:s0] =	ssyncadd.s32 $0xFFFFE600  }
0x3a: {  	[tilespmem:s22], [sflag:$0xB] =	stream.linear.gather [spmem:s8], $0x1A00, $0x38;
	[tilespmem:$0x1F360] =	vst v63  }
0x3b: {  	_ =	swait.ge [sflag:s21], $0x1A00  }
0x3c: {  	[sflag:s21] =	ssyncset.done $0x0  }
0x3d: {  	s15 =	rddreg [dreg:$0x7];
	[sflag:s21] =	ssyncadd.s32 $0xFFFFE600  }
0x3e: {  	[hbm4b:s15+s2] =	stream.linear.scatter [tilespmem:s22], [sflag:$0x7], $0x1A00, $0x38;
	[tilespmem:$0x1F360] =	vst v63  }
0x3f: {  	_ =	swait.ge [sflag:s29], $0x1A00  }
0x40: {  	[sflag:s29] =	ssyncset.done $0x0  }
0x41: {  	[sflag:s29] =	ssyncadd.s32 $0xFFFFE600  }
0x42: {  	[tilespmem:s28], [sflag:$0xB] =	stream.linear.gather [spmem:s9], $0x1A00, $0x38;
	[tilespmem:$0x1F360] =	vst v63  }
0x43: {  	_ =	swait.ge [sflag:s21], $0x1A00  }
0x44: {  	[sflag:s21] =	ssyncset.done $0x0  }
0x45: {  	s16 =	rddreg [dreg:$0x8];
	[sflag:s21] =	ssyncadd.s32 $0xFFFFE600  }
0x46: {  	[hbm4b:s16+s2] =	stream.linear.scatter [tilespmem:s28], [sflag:$0x8], $0x1A00, $0x38;
	[tilespmem:$0x1F360] =	vst v63  }
0x47: {  	_ =	swait.ge [sflag:s0], $0x1A00  }
0x48: {  	[sflag:s0] =	ssyncset.done $0x0  }
0x49: {  	[sflag:s0] =	ssyncadd.s32 $0xFFFFE600  }
0x4a: {  	[tilespmem:s22], [sflag:$0xB] =	stream.linear.gather [spmem:s10], $0x1A00, $0x38;
	[tilespmem:$0x1F360] =	vst v63  }
0x4b: {  	_ =	swait.ge [sflag:s21], $0x1A00  }
0x4c: {  	[sflag:s21] =	ssyncset.done $0x0  }
0x4d: {  	s17 =	rddreg [dreg:$0x9];
	[sflag:s21] =	ssyncadd.s32 $0xFFFFE600  }
0x4e: {  	[hbm4b:s17+s2] =	stream.linear.scatter [tilespmem:s22], [sflag:$0x7], $0x1A00, $0x38;
	[tilespmem:$0x1F360] =	vst v63  }
0x4f: {  	_ =	swait.ge [sflag:s29], $0x1A00  }
0x50: {  	[sflag:s29] =	ssyncset.done $0x0  }
0x51: {  	[sflag:s29] =	ssyncadd.s32 $0xFFFFE600  }
0x52: {  	[tilespmem:s28], [sflag:$0xB] =	stream.linear.gather [spmem:s11], $0x1A00, $0x38;
	[tilespmem:$0x1F360] =	vst v63  }
0x53: {  	_ =	swait.ge [sflag:s21], $0x1A00  }
0x54: {  	[sflag:s21] =	ssyncset.done $0x0  }
0x55: {  	[sflag:s21] =	ssyncadd.s32 $0xFFFFE600  }
0x56: {  	[hbm4b:s18+s2] =	stream.linear.scatter [tilespmem:s28], [sflag:$0x8], $0x1A00, $0x38;
	[tilespmem:$0x1F360] =	vst v63  }
0x57: {  	_ =	swait.ge [sflag:s0], $0x1A00  }
0x58: {  	[sflag:s0] =	ssyncset.done $0x0  }
0x59: {  	[sflag:s0] =	ssyncadd.s32 $0xFFFFE600  }
0x5a: {  	_ =	swait.ge [sflag:s29], $0x1A00  }
0x5b: {  	[sflag:s29] =	ssyncset.done $0x0  }
0x5c: {  	s13 =	simm.s32 @!p0 $0xB;
	s5 =	simm.s32 @!p0 $0x13D00;
	[sflag:s29] =	ssyncadd.s32 $0xFFFFE600  }
0x5d: {  	[tilespmem:s5], [sflag:$0xB] =	stream.linear.gather @!p0 [spmem:s12], $0x400, $0x38;
	[tilespmem:$0x1F360] =	vst v63  }
0x5e: {  	s4 =	sadd.s32 $0x1, s4;
	_ =	swait.ge @!p0 [sflag:s13], $0x400  }
0x5f: {  	p1 =	sne.s32 s4, s20;
	[sflag:s13] =	ssyncset.done @!p0 $0x0  }
.Ltmp1:
0x60: {  	s14 =	simm.s32 @!p0 $0x0;
	[sflag:s13] =	ssyncadd.s32 @!p0 $0xFFFFFC00;
	(pc) =	sbr.rel @!p1 .LBB2_9-.Ltmp1, $4  }
0x61: {  	[hbm4b:s19+s14] =	stream.linear.scatter @!p0 [tilespmem:s5], [sflag:$0xB], $0x400, $0x38;
	[tilespmem:$0x1F360] =	vst v63  }
0x62: {  	_ =	swait.ge @!p0 [sflag:s13], $0x400  }
0x63: {  	[sflag:s13] =	ssyncset.done @!p0 $0x0  }
0x64: {  	[sflag:s13] =	ssyncadd.s32 @!p0 $0xFFFFFC00  }
.LBB2_1:
0x65: {  	s5 =	rddreg [dreg:$0x3]  }
0x66: {  	s15 =	rddreg [dreg:$0x4];
	s16 =	sand.u32 $0x7F00, s2  }
0x67: {  	[tilespmem:s2], [sflag:$0x1] =	stream.linear.gather [hbm4b:s5+s2], $0x4E80, $0x38;
	[tilespmem:$0x1F360] =	vst v63  }
0x68: {  	s13 =	simm.s32 $0x4E80;
	s17 =	sand.u32 $0x30, s2;
	s14 =	sshrl.u32 s16, $0x2  }
0x69: {  	[tilespmem:s13], [sflag:$0x2] =	stream.linear.gather [hbm4b:s15+s2], $0x4E80, $0x38;
	[tilespmem:$0x1F360] =	vst v63  }
0x6a: {  	s5 =	simm.s32 $0x40;
	s14 =	sor.u32 s17, s14;
	s13 =	simm.s32 $0x0  }
.LBB2_2:
0x6b: {  	p1 =	sne.s32 s5, $0x67C0  }
0x6c: {  	[tilespmem:s14+$0x13D00] =	vst v0;
	s13 =	sadd.s32 $0x10, s13;
	s14 =	smov.u32 s5;
	s5 =	sadd.s32 $0x40, s5  }
.Ltmp2:
0x6d: {  	(pc) =	sbr.rel @p1 .LBB2_2-.Ltmp2, $4  }
0x6e: {  	_ = 	snop  }
0x6f: {  	s14 =	sand.u32 $0x7F00, s14  }
0x70: {  	s15 =	sand.u32 $0x30, s13;
	s14 =	sshrl.u32 s14, $0x2  }
0x71: {  	s14 =	sor.u32 s15, s14  }
0x72: {  	[tilespmem:s14+$0x13D00] =	vst v0  }
0x73: {  	[spmem:s6] =	stream.linear.scatter [tilespmem:s22], [sflag:$0x6], $0x1A00, $0x38;
	[tilespmem:$0x1F360] =	vst v63  }
0x74: {  	_ = 	snop  }
0x75: {  	[spmem:s7] =	stream.linear.scatter [tilespmem:s22], [sflag:$0x6], $0x1A00, $0x38;
	[tilespmem:$0x1F360] =	vst v63  }
0x76: {  	_ = 	snop  }
0x77: {  	[spmem:s8] =	stream.linear.scatter [tilespmem:s22], [sflag:$0x6], $0x1A00, $0x38;
	[tilespmem:$0x1F360] =	vst v63  }
0x78: {  	_ = 	snop  }
0x79: {  	[spmem:s9] =	stream.linear.scatter [tilespmem:s22], [sflag:$0x6], $0x1A00, $0x38;
	[tilespmem:$0x1F360] =	vst v63  }
0x7a: {  	_ = 	snop  }
0x7b: {  	[spmem:s10] =	stream.linear.scatter [tilespmem:s22], [sflag:$0x6], $0x1A00, $0x38;
	[tilespmem:$0x1F360] =	vst v63  }
0x7c: {  	_ = 	snop  }
0x7d: {  	[spmem:s11] =	stream.linear.scatter [tilespmem:s22], [sflag:$0x6], $0x1A00, $0x38;
	[tilespmem:$0x1F360] =	vst v63  }
0x7e: {  	s5 =	simm.s32 @!p0 $0x13D00  }
0x7f: {  	[spmem:s12] =	stream.linear.scatter @!p0 [tilespmem:s5], [sflag:$0xB], $0x400, $0x38;
	[tilespmem:$0x1F360] =	vst v63  }
0x80: {  	s5 =	simm.s32 @!p0 $0xB  }
0x81: {  	_ =	swait.ge @!p0 [sflag:s5], $0x400  }
0x82: {  	[sflag:s5] =	ssyncset.done @!p0 $0x0  }
0x83: {  	[sflag:s5] =	ssyncadd.s32 @!p0 $0xFFFFFC00  }
0x84: {  	_ =	swait.ge [sflag:s23], $0x1A00  }
0x85: {  	[sflag:s23] =	ssyncset.done $0x0  }
0x86: {  	[sflag:s23] =	ssyncadd.s32 $0xFFFFE600  }
0x87: {  	_ =	swait.ge [sflag:s23], $0x1A00  }
0x88: {  	[sflag:s23] =	ssyncset.done $0x0  }
0x89: {  	[sflag:s23] =	ssyncadd.s32 $0xFFFFE600  }
0x8a: {  	_ =	swait.ge [sflag:s23], $0x1A00  }
0x8b: {  	[sflag:s23] =	ssyncset.done $0x0  }
0x8c: {  	[sflag:s23] =	ssyncadd.s32 $0xFFFFE600  }
0x8d: {  	_ =	swait.ge [sflag:s23], $0x1A00  }
0x8e: {  	[sflag:s23] =	ssyncset.done $0x0  }
0x8f: {  	[sflag:s23] =	ssyncadd.s32 $0xFFFFE600  }
0x90: {  	_ =	swait.ge [sflag:s23], $0x1A00  }
0x91: {  	[sflag:s23] =	ssyncset.done $0x0  }
0x92: {  	[sflag:s23] =	ssyncadd.s32 $0xFFFFE600  }
0x93: {  	_ =	swait.ge [sflag:s23], $0x1A00  }
0x94: {  	[sflag:s23] =	ssyncset.done $0x0  }
0x95: {  	[sflag:s23] =	ssyncadd.s32 $0xFFFFE600  }
0x96: {  	_ =	swait.ge [sflag:s24], $0x4E80  }
0x97: {  	[sflag:s24] =	ssyncset.done $0x0  }
0x98: {  	[sflag:s24] =	ssyncadd.s32 $0xFFFFB180  }
0x99: {  	_ =	swait.ge [sflag:s25], $0x4E80  }
0x9a: {  	[sflag:s25] =	ssyncset.done $0x0  }
0x9b: {  	[sflag:s25] =	ssyncadd.s32 $0xFFFFB180  }
0x9c: {  	s5 =	simm.s32 $0x0;
	[bflag:$0x0] =	sbarrier.arrive $0xFFFF  }
0x9d: {  	[tilespmem:s28], [sflag:$0x1] =	stream.indirect.gather [hbm4b:s3+s26], $0x40, s5, s26, $0xb8;
	[tilespmem:$0x1F360] =	vst v63  }
0x9e: {  	s13 =	simm.s32 $0xBD00  }
0x9f: {  	[tilespmem:s13], [sflag:$0x2] =	stream.indirect.gather [hbm4b:s3+s26], $0x40, s26, s26, $0xb8;
	[tilespmem:$0x1F360] =	vst v63  }
.Ltmp3:
0xa0: {  	_ = 	snop;
	(pc) =	sbr.rel .LBB2_4-.Ltmp3, $4  }
0xa1: {  	s14 =	simm.s32 $0x100;
	s15 =	simm.s32 $0xDD00;
	s16 =	simm.s32 $0x180  }
0xa2: {  	[tilespmem:s15], [sflag:$0x3] =	stream.indirect.gather [hbm4b:s3+s26], $0x40, s14, s26, $0xb8;
	[tilespmem:$0x1F360] =	vst v63  }
0xa3: {  	s17 =	simm.s32 $0xFD00;
	s13 =	simm.s32 $0x200;
	s14 =	simm.s32 $0x4E80  }
0xa4: {  	[tilespmem:s17], [sflag:$0x4] =	stream.indirect.gather [hbm4b:s3+s26], $0x40, s16, s26, $0xb8;
	[tilespmem:$0x1F360] =	vst v63  }
.LBB2_6:
0xa5: {  	p1 =	seq.s32 s15, $0x2  }
0xa6: {  	s16 =	simm.s32 @p1 $0x3  }
0xa7: {  	_ =	swait.ge @p1 [sflag:s16], $0x2000  }
0xa8: {  	p2 =	sgt.u32 @p1 s5, $0x98;
	s17 =	simm.s32 @p1 $0xDD00;
	[sflag:s16] =	ssyncset.done @p1 $0x0  }
0xa9: {  	p2 =	por p2, !p1;
	[sflag:s16] =	ssyncadd.s32 @p1 $0xFFFFE000;
	s16 =	simm.s32 @p1 $0x80  }
0xaa: {  	[spmem:s1] =	stream.indirect.scatter.add.f32 @p1 [tilespmem:s17], [sflag:$0x8], $0x40, s14, s16, $0xb8;
	[tilespmem:$0x1F360] =	vst v63  }
0xab: {  	s16 =	simm.s32 @!p2 $0x7  }
0xac: {  	_ =	swait.ge @!p2 [sflag:s16], $0x2000  }
0xad: {  	[sflag:s16] =	ssyncset.done @!p2 $0x0  }
0xae: {  	s17 =	simm.s32 @!p2 $0xBD00;
	[sflag:s16] =	ssyncadd.s32 @!p2 $0xFFFFE000;
	s16 =	simm.s32 @!p2 $0x80  }
0xaf: {  	[tilespmem:s17], [sflag:$0x2] =	stream.indirect.gather @!p2 [hbm4b:s3+s16], $0x40, s13, s16, $0xb8;
	[tilespmem:$0x1F360] =	vst v63  }
0xb0: {  	p2 =	seq.s32 @!p1 s15, $0x3  }
0xb1: {  	p3 =	por !p2, p1  }
0xb2: {  	s15 =	simm.s32 @!p3 $0x4  }
0xb3: {  	_ =	swait.ge @!p3 [sflag:s15], $0x2000  }
0xb4: {  	p4 =	sgt.u32 @!p3 s5, $0x98;
	[sflag:s15] =	ssyncset.done @!p3 $0x0  }
0xb5: {  	s16 =	simm.s32 @!p3 $0xFD00;
	[sflag:s15] =	ssyncadd.s32 @!p3 $0xFFFFE000;
	s15 =	simm.s32 @!p3 $0x80  }
0xb6: {  	[spmem:s1] =	stream.indirect.scatter.add.f32 @!p3 [tilespmem:s16], [sflag:$0x9], $0x40, s14, s15, $0xb8;
	[tilespmem:$0x1F360] =	vst v63  }
0xb7: {  	p3 =	por @!p1 p4, !p2  }
0xb8: {  	p3 =	por p3, p1  }
0xb9: {  	s15 =	simm.s32 @!p3 $0x8  }
0xba: {  	_ =	swait.ge @!p3 [sflag:s15], $0x2000  }
0xbb: {  	[sflag:s15] =	ssyncset.done @!p3 $0x0  }
0xbc: {  	s16 =	simm.s32 @!p3 $0xDD00;
	[sflag:s15] =	ssyncadd.s32 @!p3 $0xFFFFE000;
	s15 =	simm.s32 @!p3 $0x80  }
0xbd: {  	[tilespmem:s16], [sflag:$0x3] =	stream.indirect.gather @!p3 [hbm4b:s3+s15], $0x40, s13, s15, $0xb8;
	[tilespmem:$0x1F360] =	vst v63  }
0xbe: {  	p3 =	por p2, p1  }
0xbf: {  	s15 =	simm.s32 @!p3 $0x5  }
0xc0: {  	p4 =	sgt.u32 @!p3 s5, $0x98;
	_ =	swait.ge @!p3 [sflag:s15], $0x2000  }
0xc1: {  	s16 =	simm.s32 @!p3 $0x11D00;
	p2 =	por @!p1 p4, p2;
	[sflag:s15] =	ssyncset.done @!p3 $0x0  }
0xc2: {  	p1 =	por p2, p1;
	[sflag:s15] =	ssyncadd.s32 @!p3 $0xFFFFE000;
	s15 =	simm.s32 @!p3 $0x80  }
0xc3: {  	[spmem:s1] =	stream.indirect.scatter.add.f32 @!p3 [tilespmem:s16], [sflag:$0xA], $0x40, s14, s15, $0xb8;
	[tilespmem:$0x1F360] =	vst v63  }
0xc4: {  	s15 =	simm.s32 @!p1 $0x9  }
0xc5: {  	_ =	swait.ge @!p1 [sflag:s15], $0x2000  }
0xc6: {  	[sflag:s15] =	ssyncset.done @!p1 $0x0  }
0xc7: {  	s16 =	simm.s32 @!p1 $0xFD00;
	[sflag:s15] =	ssyncadd.s32 @!p1 $0xFFFFE000;
	s15 =	simm.s32 @!p1 $0x80  }
0xc8: {  	[tilespmem:s16], [sflag:$0x4] =	stream.indirect.gather @!p1 [hbm4b:s3+s15], $0x40, s13, s15, $0xb8;
	[tilespmem:$0x1F360] =	vst v63  }
.LBB2_7:
0xc9: {  	s5 =	sadd.s32 $0x1, s5  }
0xca: {  	p1 =	sne.s32 s5, $0x9D  }
.Ltmp4:
0xcb: {  	_ = 	snop;
	(pc) =	sbr.rel @!p1 .LBB2_8-.Ltmp4, $2  }
0xcc: {  	_ =	sdelay $0x2  }
0xcd: {  	s13 =	sadd.s32 $0x80, s13;
	s14 =	sadd.s32 $0x80, s14  }
.LBB2_4:
0xce: {  	s15 =	smul.u32 $0xCD, s5;
	_ =	sdelay $0x1  }
0xcf: {  	s15 =	sshrl.u32 s15, $0xA  }
0xd0: {  	s15 =	sand.u32 $0x3F, s15  }
0xd1: {  	s15 =	smul.u32 $0x5, s15;
	_ =	sdelay $0x1  }
0xd2: {  	s15 =	ssub.s32 s5, s15  }
0xd3: {  	s15 =	sand.u32 $0xFF, s15  }
0xd4: {  	p1 =	sgt.s32 s15, $0x1  }
.Ltmp5:
0xd5: {  	_ = 	snop;
	(pc) =	sbr.rel @p1 .LBB2_6-.Ltmp5, $1  }
0xd6: {  	_ =	sdelay $0x3  }
0xd7: {  	p1 =	seq.s32 s15, $0x0  }
0xd8: {  	s15 =	simm.s32 @p1 $0x1;
	p2 =	sgt.u32 @p1 s5, $0x98  }
0xd9: {  	_ =	swait.ge @p1 [sflag:s15], $0x2000;
	p3 =	por p2, !p1  }
0xda: {  	s16 =	simm.s32 @p1 $0x9D00;
	[sflag:s15] =	ssyncset.done @p1 $0x0;
	p4 =	seq.s32 @!p3 s5, $0x0  }
0xdb: {  	[sflag:s15] =	ssyncadd.s32 @p1 $0xFFFFE000;
	s15 =	simm.s32 @p1 $0x80;
	p2 =	por @p1 p4, p2  }
0xdc: {  	[spmem:s1] =	stream.indirect.scatter.add.f32 @p1 [tilespmem:s16], [sflag:$0x6], $0x40, s14, s15, $0xb8;
	[tilespmem:$0x1F360] =	vst v63  }
0xdd: {  	p2 =	por p2, !p1  }
0xde: {  	s15 =	simm.s32 @!p2 $0xA  }
0xdf: {  	_ =	swait.ge @!p2 [sflag:s15], $0x2000  }
0xe0: {  	[sflag:s15] =	ssyncset.done @!p2 $0x0  }
0xe1: {  	s16 =	simm.s32 @!p3 $0x11D00;
	[sflag:s15] =	ssyncadd.s32 @!p2 $0xFFFFE000;
	s15 =	simm.s32 @!p3 $0x80  }
0xe2: {  	[tilespmem:s16], [sflag:$0x5] =	stream.indirect.gather @!p3 [hbm4b:s3+s15], $0x40, s13, s15, $0xb8;
	[tilespmem:$0x1F360] =	vst v63  }
0xe3: {  	s15 =	simm.s32 @!p1 $0x2  }
0xe4: {  	_ =	swait.ge @!p1 [sflag:s15], $0x2000  }
0xe5: {  	p2 =	sgt.u32 @!p1 s5, $0x98;
	[sflag:s15] =	ssyncset.done @!p1 $0x0  }
0xe6: {  	s16 =	simm.s32 @!p1 $0xBD00;
	[sflag:s15] =	ssyncadd.s32 @!p1 $0xFFFFE000;
	s15 =	simm.s32 @!p1 $0x80  }
0xe7: {  	[spmem:s1] =	stream.indirect.scatter.add.f32 @!p1 [tilespmem:s16], [sflag:$0x7], $0x40, s14, s15, $0xb8;
	[tilespmem:$0x1F360] =	vst v63  }
0xe8: {  	p1 =	por p2, p1  }
.Ltmp6:
0xe9: {  	s15 =	simm.s32 @!p1 $0x6;
	(pc) =	sbr.rel .LBB2_7-.Ltmp6, $4  }
0xea: {  	_ =	swait.ge @!p1 [sflag:s15], $0x2000  }
0xeb: {  	[sflag:s15] =	ssyncset.done @!p1 $0x0  }
0xec: {  	s16 =	simm.s32 @!p1 $0x9D00;
	[sflag:s15] =	ssyncadd.s32 @!p1 $0xFFFFE000;
	s15 =	simm.s32 @!p1 $0x80  }
0xed: {  	[tilespmem:s16], [sflag:$0x1] =	stream.indirect.gather @!p1 [hbm4b:s3+s15], $0x40, s13, s15, $0xb8;
	[tilespmem:$0x1F360] =	vst v63  }
.LBB2_9:
0xee: {  	_ =	sfence.sel $0x180000  }
0xef: {  	[bflag:$0x0] =	sbarrier.arrive $0xFFFF  }
0xf0: {  	_ =	strace $0x9000004A  }
0xf1: {  	[bflag:$0x2] =	sbarrier.arrive $0xFFFF  }
0xf2: {  	s0 =	rddreg [dreg:$0x2]  }
0xf3: {  	s0 =	sadd.s32 @!p0 $0x100000, s0  }
0xf4: {  	[sflag:s0] =	ssyncadd.tile.s32 @!p0 $0x1;
	_ =	shalt  }
.Lfunc_end2:
_tile_overlayer_lowered:
.L_overlay_start_2:
0xf5: {  	(tag) =	ssettag $0x2  }
0xf6: {  	s0 =	rddreg [dreg:$0x0];
	s2 =	stileid.u32  }
0xf7: {  	s1 =	rddreg [dreg:$0x1];
	p0 =	sne.s32 s2, $0x0  }
0xf8: {  	s3 =	rddreg [dreg:$0x2];
	[bflag:$0x3] =	sbarrier.arrive $0xFFFF;
	s2 =	simm.s32 @!p0 $0x1C0B  }
0xf9: {  	[timem:s3], [sflag:s2] =	dma.local @!p0 [hbm:s0], s1  }
0xfa: {  	s0 =	simm.s32 @!p0 $0xB  }
0xfb: {  	_ =	swait.ge @!p0 [sflag:s0], s1  }
0xfc: {  	s1 =	ssub.s32 @!p0 $0x0, s1;
	[sflag:s0] =	ssyncset.done @!p0 $0x0  }
0xfd: {  	[sflag:s0] =	ssyncadd.s32 @!p0 s1  }
0xfe: {  	[bflag:$0x3] =	sbarrier.arrive $0xFFFF  }
0xff: {  	_ =	shalt  }

// kernel: kernel.4.cloned.1.call-start
scs
__scs_entry_jumppad:
0x0: {  	(pc) =	sbr.rel $0x88, $3  }
0x1: {  	(tag) =	ssettag $0x0;
	lr =	simm.s32 $0x1  }
0x2: {  	[smem:$0x3F98] =	sst lr;
	_ =	strace $0xD0000000  }
0x3: {  	_ = 	snop  }
0x4: {  	_ = 	snop  }
0x5: {  	_ = 	snop  }
0x6: {  	_ = 	snop  }
0x7: {  	_ = 	snop  }
__scs_overlays_trampoline_lowered:
0x8: {  	[smem:$0x3FA7] =	sst s0  }
0x9: {  	[smem:$0x3FA8] =	sst s1  }
0xa: {  	[smem:$0x3FA9] =	sst s2  }
0xb: {  	[smem:$0x3FAA] =	sst s3  }
0xc: {  	[smem:$0x3FAB] =	sst s4  }
0xd: {  	[smem:$0x3FAC] =	sst s5  }
0xe: {  	[smem:$0x3FAD] =	sst s6  }
0xf: {  	[smem:$0x3FAE] =	sst s7  }
0x10: {  	[smem:$0x3FAF] =	sst s8  }
0x11: {  	[smem:$0x3FB0] =	sst s9;
	s0 =	simm.s32 @!p0 $0x0  }
0x12: {  	s1 =	sld [smem:$0x3F96];
	s0 =	simm.s32 @p0 $0x1  }
0x13: {  	[smem:$0x3FB1] =	sst s0;
	s0 =	simm.s32 @!p1 $0x0  }
0x14: {  	s2 =	sld [smem:$0x3F95];
	s0 =	simm.s32 @p1 $0x1  }
0x15: {  	[smem:$0x3FB2] =	sst s0;
	s0 =	simm.s32 @!p2 $0x0  }
0x16: {  	s3 =	sld [smem:$0x3FDB];
	s0 =	simm.s32 @p2 $0x1  }
0x17: {  	s4 =	simm.s32 $0x1BF5;
	[smem:$0x3FB4] =	sst s0  }
0x18: {  	s0 =	sld [smem:$0x3F97];
	_ =	swait.ge [sflag:s4], $0x0  }
0x19: {  	s7 =	sld [smem:$0x3F98]  }
0x1a: {  	s8 =	sadd.s32 $0xFFFFE003, lr  }
0x1b: {  	s9 =	sadd.s32 $0xFFFFFEF7, lr;
	s5 =	simm.s32 $0xFFFFFFFF;
	p2 =	slt.u32 s8, $0xFFFFF086  }
0x1c: {  	p1 =	slt.u32 s9, $0xF7A;
	s5 =	simm.s32 @!p2 $0x0  }
0x1d: {  	s5 =	simm.s32 @p1 $0x1;
	p0 =	seq.s32 s7, s2  }
0x1e: {  	s7 =	smul.u32 @!p0 $0xF7A, s2;
	p2 =	seq.s32 @!p0 s5, $0x0  }
0x1f: {  	s9 =	smul.u32 $0xF7A, s1;
	s8 =	simm.s32 @!p0 $0x1BF5;
	p2 =	por !p2, p0  }
0x20: {  	[sflag:s8] =	ssyncset.s32 @!p0 $0xFFFFF086;
	s6 =	sadd.s32 @!p0 s3, s7;
	s7 =	simm.s32 @!p0 $0x108  }
0x21: {  	s3 =	sadd.s32 s3, s9;
	s6 =	sadd.s32 @!p0 $0x88, s6;
	s7 =	simm.s32 @p2 $0x1082  }
0x22: {  	[simem:s7], [sflag:s8] =	dma.local @!p0 [hbm:s6], $0xF7A  }
0x23: {  	s9 =	sor.u32 $0xD0000000, s2;
	s6 =	simm.s32 $0x108;
	_ =	swait.ge @!p0 [sflag:s8], $0x0  }
0x24: {  	s3 =	sadd.s32 $0x88, s3;
	s6 =	simm.s32 @!p1 $0x1082;
	[sflag:s4] =	ssyncset.s32 $0xFFFFF086  }
0x25: {  	[simem:s6], [sflag:s4] =	dma.local [hbm:s3], $0xF7A  }
0x26: {  	[smem:$0x3F98] =	sst s1;
	(tag) =	ssettag s2;
	_ =	strace s9  }
0x27: {  	s1 =	sld [smem:$0x3FA8]  }
0x28: {  	s2 =	sld [smem:$0x3FA9]  }
0x29: {  	s4 =	sld [smem:$0x3FAB]  }
0x2a: {  	p0 =	seq.s32 s5, $0x0;
	s5 =	sld [smem:$0x3FAC]  }
0x2b: {  	s6 =	sld [smem:$0x3FAD]  }
0x2c: {  	s7 =	sld [smem:$0x3FAE]  }
0x2d: {  	s3 =	simm.s32 $0x108;
	s8 =	sld [smem:$0x3FAF]  }
0x2e: {  	s3 =	simm.s32 @!p0 $0x1082;
	s9 =	sld [smem:$0x3FB0]  }
0x2f: {  	lr =	sadd.s32 s0, s3;
	s0 =	sld [smem:$0x3FA7]  }
0x30: {  	s3 =	sld [smem:$0x3FAA]  }
0x31: {  	[smem:$0x3FB3] =	sst s10  }
0x32: {  	s10 =	sld [smem:$0x3FB1];
	_ =	sdelay $0x3  }
0x33: {  	p0 =	seq.s32 s10, $0x1;
	s10 =	sld [smem:$0x3FB3];
	_ =	sdelay $0x3  }
0x34: {  	[smem:$0x3FB3] =	sst s10  }
0x35: {  	s10 =	sld [smem:$0x3FB2];
	_ =	sdelay $0x3  }
0x36: {  	p1 =	seq.s32 s10, $0x1;
	s10 =	sld [smem:$0x3FB3];
	_ =	sdelay $0x3  }
0x37: {  	[smem:$0x3FB3] =	sst s10  }
0x38: {  	s10 =	sld [smem:$0x3FB4]  }
0x39: {  	_ = 	snop;
	(pc) =	sbr.ind lr, $3  }
0x3a: {  	_ = 	snop  }
0x3b: {  	_ = 	snop  }
0x3c: {  	p2 =	seq.s32 s10, $0x1;
	s10 =	sld [smem:$0x3FB3]  }
0x3d: {  	_ =	shalt  }
0x3e: {  	_ =	shalt  }
0x3f: {  	_ =	shalt  }
0x40: {  	_ =	shalt  }
0x41: {  	_ =	shalt  }
0x42: {  	_ =	shalt  }
0x43: {  	_ =	shalt  }
0x44: {  	_ =	shalt  }
0x45: {  	_ =	shalt  }
0x46: {  	_ =	shalt  }
0x47: {  	_ =	shalt  }
0x48: {  	_ =	shalt  }
0x49: {  	_ =	shalt  }
0x4a: {  	_ =	shalt  }
0x4b: {  	_ =	shalt  }
0x4c: {  	_ =	shalt  }
0x4d: {  	_ =	shalt  }
0x4e: {  	_ =	shalt  }
0x4f: {  	_ =	shalt  }
0x50: {  	_ =	shalt  }
0x51: {  	_ =	shalt  }
0x52: {  	_ =	shalt  }
0x53: {  	_ =	shalt  }
0x54: {  	_ =	shalt  }
0x55: {  	_ =	shalt  }
0x56: {  	_ =	shalt  }
0x57: {  	_ =	shalt  }
0x58: {  	_ =	shalt  }
0x59: {  	_ =	shalt  }
0x5a: {  	_ =	shalt  }
0x5b: {  	_ =	shalt  }
0x5c: {  	_ =	shalt  }
0x5d: {  	_ =	shalt  }
0x5e: {  	_ =	shalt  }
0x5f: {  	_ =	shalt  }
0x60: {  	_ =	shalt  }
0x61: {  	_ =	shalt  }
0x62: {  	_ =	shalt  }
0x63: {  	_ =	shalt  }
0x64: {  	_ =	shalt  }
0x65: {  	_ =	shalt  }
0x66: {  	_ =	shalt  }
0x67: {  	_ =	shalt  }
0x68: {  	_ =	shalt  }
0x69: {  	_ =	shalt  }
0x6a: {  	_ =	shalt  }
0x6b: {  	_ =	shalt  }
0x6c: {  	_ =	shalt  }
0x6d: {  	_ =	shalt  }
0x6e: {  	_ =	shalt  }
0x6f: {  	_ =	shalt  }
0x70: {  	_ =	shalt  }
0x71: {  	_ =	shalt  }
0x72: {  	_ =	shalt  }
0x73: {  	_ =	shalt  }
0x74: {  	_ =	shalt  }
0x75: {  	_ =	shalt  }
0x76: {  	_ =	shalt  }
0x77: {  	_ =	shalt  }
0x78: {  	_ =	shalt  }
0x79: {  	_ =	shalt  }
0x7a: {  	_ =	shalt  }
0x7b: {  	_ =	shalt  }
0x7c: {  	_ =	shalt  }
0x7d: {  	_ =	shalt  }
0x7e: {  	_ =	shalt  }
0x7f: {  	_ =	shalt  }
0x80: {  	_ =	shalt  }
0x81: {  	_ =	shalt  }
0x82: {  	_ =	shalt  }
0x83: {  	_ =	shalt  }
0x84: {  	_ =	shalt  }
0x85: {  	_ =	shalt  }
0x86: {  	_ =	shalt  }
0x87: {  	_ =	shalt  }
.Lfunc_end0:
.L_simem_size_0:
called_computation.1_lowered:
.L_overlay_start_0:
0x88: {  	s2 =	sld [smem:$0x3FD9]  }
0x89: {  	s3 =	sld [smem:$0x3FFE];
	_ =	sdelay $0x1  }
0x8a: {  	s1 =	srdreg.scid  }
0x8b: {  	s0 =	sand.u32 $0x1, s1  }
0x8c: {  	s16 =	sshll.u32 s0, $0xA;
	s2 =	sadd.s32 s3, s2  }
0x8d: {  	s2 =	sadd.s32 s2, s16  }
0x8e: {  	[smem:$0x3FBF] =	sst s2  }
0x8f: {  	_ = 	snop  }
0x90: {  	(tm) =	ssettm $0x1  }
0x91: {  	s17 =	sld [smem:$0x3FFB];
	_ =	sdelay $0x3  }
0x92: {  	_ =	strace s17  }
0x93: {  	s2 =	sld [smem:$0x3FFC];
	_ =	sdelay $0x3  }
0x94: {  	_ =	strace s2  }
0x95: {  	s2 =	sld [smem:$0x3FFD];
	_ =	sdelay $0x3  }
0x96: {  	_ =	strace s2  }
0x97: {  	_ =	strace $0x8FFFFFFF  }
0x98: {  	s18 =	sld [smem:$0x3FDB];
	_ =	sdelay $0x1  }
0x99: {  	s19 =	simm.s32 $_scs_section_size  }
0x9a: {  	s4 =	simm.s32 $_size__tile_overlayer_lowered;
	s5 =	simm.s32 $_tile_overlayer_lowered  }
0x9b: {  	s22 =	simm.s32 $0x1BFF;
	s21 =	sshll.u32 s5, $0x1;
	s2 =	sadd.s32 s19, s18  }
0x9c: {  	s6 =	simm.s32 $0x0;
	s20 =	sshll.u32 s4, $0x1;
	s4 =	sadd.s32 s21, s2  }
0x9d: {  	[timem:s6], [sflag:s22] =	dma.local [hbm:s4], s20  }
0x9e: {  	_ =	swait.ge [sflag:s22], s20  }
0x9f: {  	s3 =	ssub.s32 $0x0, s20;
	[sflag:s22] =	ssyncset.done $0x0  }
0xa0: {  	[sflag:s22] =	ssyncadd.s32 s3;
	_ =	sdelay $0x1  }
0xa1: {  	s23 =	simm.s32 $0x1B8B  }
0xa2: {  	_ =	swait.ge [sflag:s23], $0x1  }
0xa3: {  	[sflag:s23] =	ssyncset.done $0x0  }
0xa4: {  	s25 =	simm.s32 $0x1B8E;
	s24 =	sld [smem:$0x3FFE];
	[sflag:s23] =	ssyncadd.s32 $0xFFFFFFFF  }
0xa5: {  	s26 =	simm.s32 $execute0_lowered;
	[smem:$0x3FD2] =	sst s25  }
0xa6: {  	s4 =	sshll.u32 s26, $0x1;
	_ =	strace $0x80000046;
	[dreg:$0x1] =	wrdreg $0xFFFFFFFF  }
0xa7: {  	s28 =	simm.s32 $_size_execute0_lowered;
	s2 =	sadd.s32 s2, s4;
	[dreg:$0x0] =	wrdreg $0x0  }
0xa8: {  	s4 =	sshll.u32 s28, $0x1;
	[dreg:$0x2] =	wrdreg s2  }
0xa9: {  	[dreg:$0x3] =	wrdreg s4  }
0xaa: {  	[dreg:$0x4] =	wrdreg $0xC0  }
0xab: {  	_ =	task [dreg:s6], $0x5FFFF  }
0xac: {  	[dreg:$0x1] =	wrdreg $0xFFFFFFFF  }
0xad: {  	[dreg:$0x0] =	wrdreg $0x60  }
0xae: {  	[dreg:$0x2] =	wrdreg s24  }
0xaf: {  	[dreg:$0x3] =	wrdreg $0x43000  }
0xb0: {  	[dreg:$0x4] =	wrdreg $0x9  }
0xb1: {  	_ =	task.clear_ibuf [dreg:s6], $0x5FFFF;
	_ =	strace $0x90000046  }
0xb2: {  	s29 =	simm.s32 $0x9;
	_ =	strace $0x80000048  }
0xb3: {  	_ =	swait.ge [sflag:s29], $0x1  }
0xb4: {  	[sflag:s29] =	ssyncadd.s32 $0xFFFFFFFF  }
0xb5: {  	_ =	strace $0x90000048  }
0xb6: {  	_ =	sfence  }
0xb7: {  	s30 =	sld [smem:$0x0];
	_ =	sdelay $0x2  }
0xb8: {  	s31 =	sshll.u32 s1, $0xD;
	s1 =	sshrl.u32 s1, $0x2  }
0xb9: {  	s3 =	sand.u32 $0x4000, s31;
	s1 =	sadd.s32 s1, s30  }
0xba: {  	s0 =	sor.u32 s3, s0;
	s1 =	sshll.u32 s1, $0x11  }
0xbb: {  	s0 =	sor.u32 s1, s0  }
0xbc: {  	s0 =	sadd.s32 $0x8F2B, s0  }
0xbd: {  	[sflag:s0] =	ssyncadd.remote.s32 $0x1  }
0xbe: {  	_ =	sfence.sel $0xFFFF  }
0xbf: {  	[dreg:$0x0] =	wrdreg $0xFFFFFFFF;
	(pc) =	sbr.abs _section_cstart, $3  }
0xc0: {  	[dreg:$0x1] =	wrdreg $0xFFFFFFFF  }
0xc1: {  	_ =	task.clear_ibuf [dreg:s6], $0x2FFFF;
	_ =	strace $0x9FFFFFFF  }
0xc2: {  	(tm) =	ssettm $0x7FFFFFFF  }
0xc3: {  	_ =	shalt  }
tec
execute0_lowered:
.L_overlay_start_1:
0x0: {  	(tag) =	ssettag $0x1  }
0x1: {  	s3 =	rddreg [dreg:$0x0]  }
0x2: {  	s1 =	rddreg [dreg:$0x1]  }
0x3: {  	s0 =	rddreg [dreg:$0x2]  }
0x4: {  	s2 =	simm.s32 $0x0;
	s4 =	srdreg.scid;
	s9 =	stileid.u32  }
0x5: {  	s13 =	simm.s32 $0x1;
	s14 =	simm.s32 $0x0;
	[smem:$0x7FF] =	sst s2  }
0x6: {  	s5 =	sand.u32 $0x1, s4;
	s28 =	sshll.u32 s9, $0xB;
	s7 =	smul.u32 $0x270, s9  }
0x7: {  	s11 =	sadd.s32 $0x13000, s3;
	s4 =	sadd.s32 $0x2700, s1;
	p0 =	sne.s32 s9, $0x0  }
0x8: {  	s9 =	simm.s32 $0x4080;
	_ =	strace $0x80000047;
	s6 =	ssub.s32 $0x2, s5  }
0x9: {  	s8 =	sadd.s32 s28, s3;
	s10 =	smul.u32 $0x2710, s5;
	s5 =	sshll.u32 s5, $0xF  }
0xa: {  	s29 =	sshrl.u32 s6, $0x1;
	s3 =	sadd.s32 s7, s1;
	s5 =	sadd.s32 s5, s8  }
0xb: {  	s12 =	ssub.s32 s6, s29;
	s30 =	sadd.s32 s7, s10;
	s31 =	sshrl.u32 s10, $0x3  }
0xc: {  	s5 =	sadd.s32 $0x3000, s5;
	s10 =	simm.s32 $0x2;
	s6 =	sshrl.u32 s30, $0x3  }
0xd: {  	s7 =	sadd.s32 s11, s31;
	s8 =	smax.u32 s12, $0x1;
	s12 =	simm.s32 $0x4000  }
0xe: {  	v0 =	vimm.f32 $0.0e+00;
	v1 =	vimm.f32 $1.000000000e+00;
	s6 =	sadd.s32 s11, s6;
	s7 =	sadd.s32 $0x4E0, s7;
	s11 =	simm.s32 $0x50  }
.LBB2_1:
0xf: {  	[tilespmem:$0x4080] =	vst v0  }
0x10: {  	[tilespmem:$0x4090] =	vst v0  }
0x11: {  	[tilespmem:$0x40A0] =	vst v0  }
0x12: {  	[tilespmem:$0x40B0] =	vst v0  }
0x13: {  	[tilespmem:$0x40C0] =	vst v0  }
0x14: {  	[tilespmem:$0x40D0] =	vst v0  }
0x15: {  	[tilespmem:$0x40E0] =	vst v0  }
0x16: {  	[tilespmem:$0x40F0] =	vst v0  }
0x17: {  	[tilespmem:$0x4100] =	vst v0  }
0x18: {  	[tilespmem:$0x4110] =	vst v0  }
0x19: {  	[tilespmem:$0x4120] =	vst v0  }
0x1a: {  	[tilespmem:$0x4130] =	vst v0  }
0x1b: {  	[tilespmem:$0x4140] =	vst v0  }
0x1c: {  	[tilespmem:$0x4150] =	vst v0  }
0x1d: {  	[tilespmem:$0x4160] =	vst v0  }
0x1e: {  	[tilespmem:$0x4170] =	vst v0  }
0x1f: {  	[tilespmem:$0x4180] =	vst v0  }
0x20: {  	[tilespmem:$0x4190] =	vst v0  }
0x21: {  	[tilespmem:$0x41A0] =	vst v0  }
0x22: {  	[tilespmem:$0x41B0] =	vst v0  }
0x23: {  	[tilespmem:$0x41C0] =	vst v0  }
0x24: {  	[tilespmem:$0x41D0] =	vst v0  }
0x25: {  	[tilespmem:$0x41E0] =	vst v0  }
0x26: {  	[tilespmem:$0x41F0] =	vst v0  }
0x27: {  	[tilespmem:$0x4200] =	vst v0  }
0x28: {  	[tilespmem:$0x4210] =	vst v0  }
0x29: {  	[tilespmem:$0x4220] =	vst v0  }
0x2a: {  	[tilespmem:$0x4230] =	vst v0  }
0x2b: {  	[tilespmem:$0x4240] =	vst v0  }
0x2c: {  	[tilespmem:$0x4250] =	vst v0  }
0x2d: {  	[tilespmem:$0x4260] =	vst v0  }
0x2e: {  	[tilespmem:$0x4270] =	vst v0  }
0x2f: {  	[tilespmem:$0x4280] =	vst v0  }
0x30: {  	[tilespmem:$0x4290] =	vst v0  }
0x31: {  	[tilespmem:$0x42A0] =	vst v0  }
0x32: {  	[tilespmem:$0x42B0] =	vst v0  }
0x33: {  	[tilespmem:$0x42C0] =	vst v0  }
0x34: {  	[tilespmem:$0x42D0] =	vst v0  }
0x35: {  	[tilespmem:$0x42E0] =	vst v0  }
0x36: {  	[tilespmem:$0x4000] =	vst v1  }
0x37: {  	[tilespmem:$0x4010] =	vst v1  }
0x38: {  	[tilespmem:$0x4020] =	vst v1  }
0x39: {  	[tilespmem:$0x4030] =	vst v1  }
0x3a: {  	[tilespmem:$0x4040] =	vst v1  }
0x3b: {  	[spmem:s3] =	stream.linear.scatter [tilespmem:s9], [sflag:$0x2], $0x270, $0x38;
	[tilespmem:$0x4578] =	vst v63  }
0x3c: {  	_ =	swait.ge [sflag:s10], $0x270  }
0x3d: {  	[sflag:s10] =	ssyncset.done $0x0  }
0x3e: {  	s15 =	simm.s32 @!p0 $0x4080;
	[sflag:s10] =	ssyncadd.s32 $0xFFFFFD90  }
0x3f: {  	[spmem:s4] =	stream.linear.scatter @!p0 [tilespmem:s15], [sflag:$0x2], $0x10, $0x38;
	[tilespmem:$0x4578] =	vst v63  }
0x40: {  	s15 =	simm.s32 @!p0 $0x2  }
0x41: {  	_ =	swait.ge @!p0 [sflag:s15], $0x10  }
0x42: {  	[sflag:s15] =	ssyncset.done @!p0 $0x0  }
0x43: {  	[sflag:s15] =	ssyncadd.s32 @!p0 $0xFFFFFFF0  }
0x44: {  	[bflag:$0x0] =	sbarrier.arrive $0xFFFF  }
0x45: {  	[tilespmem:s2], [sflag:$0x2] =	stream.linear.gather [hbm4b:s5+s2], $0x3E80, $0x38;
	[tilespmem:$0x4578] =	vst v63  }
0x46: {  	_ =	swait.ge [sflag:s10], $0x3E80  }
0x47: {  	[sflag:s10] =	ssyncset.done $0x0  }
0x48: {  	s15 =	simm.s32 $0x0;
	[sflag:s10] =	ssyncadd.s32 $0xFFFFC180  }
.LBB2_2:
0x49: {  	p1 =	sne.s32 s15, $0xF800  }
.Ltmp0:
0x4a: {  	_ = 	snop;
	(pc) =	sbr.rel @p1 .LBB2_2-.Ltmp0, $3  }
0x4b: {  	_ =	sdelay $0x1  }
0x4c: {  	s16 =	sshra.s32 s15, $0x2;
	s15 =	sadd.s32 $0x200, s15  }
0x4d: {  	[spmem:s1] =	stream.indirect.scatter.add.f32 [tilespmem:s12], [sflag:$0x1], $0x1, s16, s11, $0xb8;
	[tilespmem:$0x4578] =	vst v63  }
0x4e: {  	_ =	swait.ge [sflag:s13], $0x50  }
0x4f: {  	s15 =	simm.s32 $0x7C;
	[sflag:s13] =	ssyncset.done $0x0  }
.LBB2_4:
0x50: {  	p1 =	sne.s32 s15, $0x1;
	s15 =	sadd.s32 $0xFFFFFFFF, s15;
	[sflag:s13] =	ssyncadd.s32 $0xFFFFFFB0  }
.Ltmp1:
0x51: {  	(pc) =	sbr.rel @p1 .LBB2_4-.Ltmp1, $3  }
0x52: {  	_ =	sdelay $0x1  }
0x53: {  	_ =	swait.ge [sflag:s13], $0x50  }
0x54: {  	[sflag:s13] =	ssyncset.done $0x0  }
0x55: {  	[sflag:s13] =	ssyncadd.s32 $0xFFFFFFB0  }
0x56: {  	[bflag:$0x0] =	sbarrier.arrive $0xFFFF  }
0x57: {  	[tilespmem:s9], [sflag:$0x2] =	stream.linear.gather [spmem:s3], $0x270, $0x38;
	[tilespmem:$0x4578] =	vst v63  }
0x58: {  	_ =	swait.ge [sflag:s10], $0x270  }
0x59: {  	[sflag:s10] =	ssyncset.done $0x0  }
0x5a: {  	[sflag:s10] =	ssyncadd.s32 $0xFFFFFD90  }
0x5b: {  	[hbm4b:s6+s2] =	stream.linear.scatter [tilespmem:s9], [sflag:$0x2], $0x270, $0x38;
	[tilespmem:$0x4578] =	vst v63  }
0x5c: {  	_ =	swait.ge [sflag:s10], $0x270  }
0x5d: {  	[sflag:s10] =	ssyncset.done $0x0  }
0x5e: {  	s15 =	simm.s32 @!p0 $0x4080;
	s16 =	simm.s32 @!p0 $0x2;
	[sflag:s10] =	ssyncadd.s32 $0xFFFFFD90  }
0x5f: {  	[tilespmem:s15], [sflag:$0x2] =	stream.linear.gather @!p0 [spmem:s4], $0x10, $0x38;
	[tilespmem:$0x4578] =	vst v63  }
0x60: {  	s14 =	sadd.s32 $0x1, s14;
	_ =	swait.ge @!p0 [sflag:s16], $0x10  }
0x61: {  	p1 =	sne.s32 s14, s8;
	[sflag:s16] =	ssyncset.done @!p0 $0x0  }
.Ltmp2:
0x62: {  	s17 =	simm.s32 @!p0 $0x0;
	[sflag:s16] =	ssyncadd.s32 @!p0 $0xFFFFFFF0;
	(pc) =	sbr.rel @p1 .LBB2_1-.Ltmp2, $4  }
0x63: {  	[hbm4b:s7+s17] =	stream.linear.scatter @!p0 [tilespmem:s15], [sflag:$0x2], $0x10, $0x38;
	[tilespmem:$0x4578] =	vst v63  }
0x64: {  	_ =	swait.ge @!p0 [sflag:s16], $0x10  }
0x65: {  	[sflag:s16] =	ssyncset.done @!p0 $0x0  }
0x66: {  	[sflag:s16] =	ssyncadd.s32 @!p0 $0xFFFFFFF0  }
0x67: {  	_ =	sfence.sel $0x180000  }
0x68: {  	[bflag:$0x0] =	sbarrier.arrive $0xFFFF  }
0x69: {  	_ =	strace $0x90000047  }
0x6a: {  	s0 =	sadd.s32 @!p0 $0x100000, s0;
	[bflag:$0x2] =	sbarrier.arrive $0xFFFF  }
0x6b: {  	[sflag:s0] =	ssyncadd.tile.s32 @!p0 $0x1;
	_ =	shalt  }
.Lfunc_end2:
_tile_overlayer_lowered:
.L_overlay_start_2:
0x6c: {  	(tag) =	ssettag $0x2  }
0x6d: {  	s0 =	rddreg [dreg:$0x0];
	s2 =	stileid.u32  }
0x6e: {  	s1 =	rddreg [dreg:$0x1];
	p0 =	sne.s32 s2, $0x0  }
0x6f: {  	s3 =	rddreg [dreg:$0x2];
	[bflag:$0x3] =	sbarrier.arrive $0xFFFF;
	s2 =	simm.s32 @!p0 $0x1C02  }
0x70: {  	[timem:s3], [sflag:s2] =	dma.local @!p0 [hbm:s0], s1  }
0x71: {  	s0 =	simm.s32 @!p0 $0x2  }
0x72: {  	_ =	swait.ge @!p0 [sflag:s0], s1  }
0x73: {  	s1 =	ssub.s32 @!p0 $0x0, s1;
	[sflag:s0] =	ssyncset.done @!p0 $0x0  }
0x74: {  	[sflag:s0] =	ssyncadd.s32 @!p0 s1  }
0x75: {  	[bflag:$0x3] =	sbarrier.arrive $0xFFFF  }
0x76: {  	_ =	shalt  }

</sc_bundles>
